<compile_context>
chip_gen: v7x
topology: tpu7x:2x2x1
jax: 0.10.2.dev20260603
libtpu: 0.0.44.dev20260713+nightly
codegen_flags: <defaults>
</compile_context>

<pallas_src>
import functools

import jax
import jax.numpy as jnp
from jax import lax
from jax.experimental import pallas as pl
from jax.experimental.pallas import tpu as pltpu
from jax.experimental.pallas import tpu_sc as plsc

B_ROWS = 4096
NUM_FIELDS = 26
EMBED_DIM = 64
FIELD_SIZE = 40000
B = B_ROWS * NUM_FIELDS

NC = 2
NS = 16
NW = NC * NS
BB = B_ROWS // NW
NFPC = 2
N_CHUNKS = NUM_FIELDS // NFPC
CHUNK = NFPC * BB
LANES = 16
VECS_PER_BLK = BB // LANES

DBLK_STRIDE = 8320000
CB_STRIDE = 1024
DIN_STRIDE = 128


def _body(
    x_hbm, tbl_hbm, tdum_hbm, out_hbm,
    xv, idx0, idx1, rows0, rows1, sem0, sem1, semw0, semw1,
):
    wid = lax.axis_index("s") * NC + lax.axis_index("c")
    lane = lax.iota(jnp.int32, LANES)
    bbase = wid * BB

    def stage(c, idxv):
        pltpu.sync_copy(
            x_hbm.at[pl.ds(NFPC * c * B_ROWS + bbase, BB)],
            xv.at[pl.ds(0, BB)],
        )
        pltpu.sync_copy(
            x_hbm.at[pl.ds((NFPC * c + 1) * B_ROWS + bbase, BB)],
            xv.at[pl.ds(BB, BB)],
        )

        def mk_base(m, _):
            field = NFPC * c + m // VECS_PER_BLK
            row = xv[pl.ds(m * LANES, LANES)] + field * FIELD_SIZE
            cb = lax.shift_right_logical(row, 7)
            jl = lax.bitwise_and(row, 127)
            xv[pl.ds(m * LANES, LANES)] = cb * CB_STRIDE + jl
            return 0

        lax.fori_loop(0, NFPC * VECS_PER_BLK, mk_base, 0)

        def mk_idx(d, _):
            p = (d // 8) * DBLK_STRIDE + (d % 8) * DIN_STRIDE

            def mk_idx_vec(m, _):
                idxv[d, pl.ds(m * LANES, LANES)] = (
                    xv[pl.ds(m * LANES, LANES)] + p
                )
                return 0

            lax.fori_loop(0, NFPC * VECS_PER_BLK, mk_idx_vec, 0)
            return 0

        lax.fori_loop(0, EMBED_DIM, mk_idx, 0)

    def fire(idxv, rowsv, sem):
        def f(d, _):
            pltpu.async_copy(
                tbl_hbm.at[idxv.at[d]], rowsv.at[d // 8, d % 8], sem
            )
            return 0

        lax.fori_loop(0, EMBED_DIM, f, 0)

    def drain(rowsv, sem):
        pltpu.make_async_copy(tdum_hbm.at[pl.ds(0, 8)], rowsv, sem).wait()

    def fire_writes(c, rowsv, semw):
        for fi in range(NFPC):
            f = NFPC * c + fi

            def w(dblk, _):
                pltpu.async_copy(
                    rowsv.at[dblk, :, pl.ds(fi * BB, BB)],
                    out_hbm.at[f, dblk, wid],
                    semw,
                )
                return 0

            lax.fori_loop(0, 8, w, 0)

    stage(0, idx0)
    fire(idx0, rows0, sem0)

    def pipeline(c, _):
        is_odd = lax.rem(c, 2) == 1

        @pl.when(is_odd)
        def _():
            @pl.when(c >= 2)
            def _():
                drain(rows1, semw1)
            stage(c, idx1)
            fire(idx1, rows1, sem1)
            drain(rows0, sem0)
            fire_writes(c - 1, rows0, semw0)

        @pl.when(jnp.logical_not(is_odd))
        def _():
            drain(rows0, semw0)
            stage(c, idx0)
            fire(idx0, rows0, sem0)
            drain(rows1, sem1)
            fire_writes(c - 1, rows1, semw1)

        return 0

    lax.fori_loop(1, N_CHUNKS, pipeline, 0)
    drain(rows0, sem0)
    fire_writes(N_CHUNKS - 1, rows0, semw0)
    drain(rows0, semw0)
    drain(rows1, semw1)


@jax.jit
def kernel(x, table):
    tflat = (
        table.T.reshape(8, 8, 8125, 128).transpose(0, 2, 1, 3).reshape(-1)
    )
    tdum = tflat[: 8 * 8 * CHUNK].reshape(8, 8, CHUNK)
    mesh = plsc.VectorSubcoreMesh(core_axis_name="c", subcore_axis_name="s")
    k = functools.partial(
        pl.kernel,
        mesh=mesh,
        out_type=jax.ShapeDtypeStruct((NUM_FIELDS, 8, NW, 8, BB), jnp.float32),
        scratch_types=[
            pltpu.VMEM((CHUNK,), jnp.int32),
            pltpu.VMEM((EMBED_DIM, CHUNK), jnp.int32),
            pltpu.VMEM((EMBED_DIM, CHUNK), jnp.int32),
            pltpu.VMEM((8, 8, CHUNK), jnp.float32),
            pltpu.VMEM((8, 8, CHUNK), jnp.float32),
            pltpu.SemaphoreType.DMA,
            pltpu.SemaphoreType.DMA,
            pltpu.SemaphoreType.DMA,
            pltpu.SemaphoreType.DMA,
        ],
        compiler_params=pltpu.CompilerParams(use_tc_tiling_on_sc=False),
    )(_body)
    out5 = k(x.T.reshape(-1), tflat, tdum)
    return (
        out5.transpose(0, 1, 3, 2, 4)
        .reshape(NUM_FIELDS, EMBED_DIM, B_ROWS)
        .transpose(2, 0, 1)
    )

# --- scband reference (transcript-rebuilt; emitter-appended) ---
"""Pipeline reference for scband-basic-frctr-75273596829783 (READ-ONLY COPY).

The authoritative reference and input builder live on the scoring server;
editing this copy changes nothing except your own understanding.
"""

import jax, jax.numpy as jnp
import numpy as np

FIELD_DIMS = [40000] * 26
EMBED_DIM = 64
OFFSETS = np.array((0, *np.cumsum(FIELD_DIMS)[:-1]), dtype=np.int64)
TOTAL_ROWS = int(sum(FIELD_DIMS))


def setup_inputs(seed: int = 0) -> dict:
    key = jax.random.key(seed)
    k1, k2 = jax.random.split(key)
    x = jax.random.randint(k1, (4096, 26), 0, 40000, dtype=jnp.int32)
    # xavier uniform init like torch.nn.init.xavier_uniform_
    limit = float(np.sqrt(6.0 / (TOTAL_ROWS + EMBED_DIM)))
    table = jax.random.uniform(k2, (TOTAL_ROWS, EMBED_DIM), dtype=jnp.float32, minval=-limit, maxval=limit)
    return {"x": x, "table": table}


def reference(x, table):
    # FeaturesEmbedding.forward: shift per-field indices by cumulative offsets, then lookup
    idx = x + jnp.asarray(OFFSETS, dtype=x.dtype)[None, :]
    x_emb = jnp.take(table, idx, axis=0)  # [B, F, D]
    # BasicFRCTR default FRN is Skip: returns (x_emb, None); we return the embedding tensor
    return x_emb

if __name__ == "__main__":
    import jax
    _d = setup_inputs()
    print(jax.jit(kernel)(*tuple(_d.values())))

</pallas_src>

<mosaic_0001>
#map = affine_map<(d0, d1) -> (0)>
#map1 = affine_map<(d0, d1) -> (0, 0, 0)>
#map2 = affine_map<(d0, d1) -> (0, 0, 0, 0, 0)>
module attributes {stable_mosaic.version = 14 : i64} {
  func.func @_body(%arg0: i32, %arg1: i32, %arg2: memref<106496xi32, #tpu.memory_space<hbm>>, %arg3: memref<66560000xf32, #tpu.memory_space<hbm>>, %arg4: memref<8x8x256xf32, #tpu.memory_space<hbm>>, %arg5: memref<26x8x32x8x128xf32, #tpu.memory_space<hbm>>, %arg6: memref<256xi32, #tpu.memory_space<vmem>>, %arg7: memref<64x256xi32, #tpu.memory_space<vmem>>, %arg8: memref<64x256xi32, #tpu.memory_space<vmem>>, %arg9: memref<8x8x256xf32, #tpu.memory_space<vmem>>, %arg10: memref<8x8x256xf32, #tpu.memory_space<vmem>>, %arg11: memref<!tpu.dma_semaphore, #tpu.memory_space<semaphore_mem>>, %arg12: memref<!tpu.dma_semaphore, #tpu.memory_space<semaphore_mem>>, %arg13: memref<!tpu.dma_semaphore, #tpu.memory_space<semaphore_mem>>, %arg14: memref<!tpu.dma_semaphore, #tpu.memory_space<semaphore_mem>>) attributes {dimension_semantics = [#tpu.dimension_semantics<core_parallel>, #tpu.dimension_semantics<subcore_parallel>], iteration_bounds = array<i64: 2, 16>, scalar_prefetch = 0 : i64, scratch_operands = 9 : i64, tpu.core_type = #tpu.core_type<sc_vector_subcore>, window_params = [{transform_indices = #map}, {transform_indices = #map}, {transform_indices = #map1}, {transform_indices = #map2}]} {
    %mul3A = arith.constant 2 : i32
    %mul3A_0 = arith.muli %arg1, %mul3A : i32
    %add3A = arith.addi %mul3A_0, %arg0 : i32
    %iota3A = tpu.iota {dimensions = array<i32: 0>} : vector<16xi32>
    %mul3A_1 = arith.constant 128 : i32
    %mul3A_2 = arith.muli %add3A, %mul3A_1 : i32
    %add3A_3 = arith.constant 0 : i32
    %add3A_4 = arith.addi %add3A_3, %mul3A_2 : i32
    "tpu.region"() ({
      %run_scoped3A = tpu.sem_alloc : memref<!tpu.dma_semaphore, #tpu.memory_space<semaphore_mem>>
      %dma_start3A = arith.constant 0 : i32
      %dma_start3A_71 = tpu.memref_slice %arg6[%dma_start3A] : memref<256xi32, #tpu.memory_space<vmem>> -> memref<128xi32, #tpu.memory_space<vmem>>
      %dma_start3A_72 = tpu.memref_slice %arg2[%add3A_4] : memref<106496xi32, #tpu.memory_space<hbm>> -> memref<128xi32, #tpu.memory_space<hbm>>
      %dma_start3A_73 = arith.constant 0 : i32
      %dma_start3A_74 = tpu.memref_slice %arg6[%dma_start3A_73] : memref<256xi32, #tpu.memory_space<vmem>> -> memref<128xi32, #tpu.memory_space<vmem>>
      %dma_start3A_75 = tpu.memref_slice %arg2[%add3A_4] : memref<106496xi32, #tpu.memory_space<hbm>> -> memref<128xi32, #tpu.memory_space<hbm>>
      tpu.enqueue_dma source(%dma_start3A_75 : memref<128xi32, #tpu.memory_space<hbm>>) target(%dma_start3A_74 : memref<128xi32, #tpu.memory_space<vmem>>) target_semaphore(%run_scoped3A : memref<!tpu.dma_semaphore, #tpu.memory_space<semaphore_mem>>)
      %dma_wait3A_76 = arith.constant 0 : i32
      %dma_wait3A_77 = tpu.memref_slice %arg6[%dma_wait3A_76] : memref<256xi32, #tpu.memory_space<vmem>> -> memref<128xi32, #tpu.memory_space<vmem>>
      %dma_wait3A_78 = tpu.memref_slice %arg2[%add3A_4] : memref<106496xi32, #tpu.memory_space<hbm>> -> memref<128xi32, #tpu.memory_space<hbm>>
      %dma_wait3A_79 = arith.constant 0 : i32
      %dma_wait3A_80 = tpu.memref_slice %arg6[%dma_wait3A_79] : memref<256xi32, #tpu.memory_space<vmem>> -> memref<128xi32, #tpu.memory_space<vmem>>
      %dma_wait3A_81 = tpu.memref_slice %arg2[%add3A_4] : memref<106496xi32, #tpu.memory_space<hbm>> -> memref<128xi32, #tpu.memory_space<hbm>>
      tpu.wait_dma2 semaphore(%run_scoped3A : memref<!tpu.dma_semaphore, #tpu.memory_space<semaphore_mem>>) src(%dma_wait3A_81 : memref<128xi32, #tpu.memory_space<hbm>>) dst(%dma_wait3A_80 : memref<128xi32, #tpu.memory_space<vmem>>)
      tpu.yield
    }) : () -> ()
    %add3A_5 = arith.constant 4096 : i32
    %add3A_6 = arith.addi %add3A_5, %mul3A_2 : i32
    "tpu.region"() ({
      %run_scoped3A = tpu.sem_alloc : memref<!tpu.dma_semaphore, #tpu.memory_space<semaphore_mem>>
      %dma_start3A = arith.constant 128 : i32
      %dma_start3A_71 = tpu.memref_slice %arg6[%dma_start3A] : memref<256xi32, #tpu.memory_space<vmem>> -> memref<128xi32, #tpu.memory_space<vmem>>
      %dma_start3A_72 = tpu.memref_slice %arg2[%add3A_6] : memref<106496xi32, #tpu.memory_space<hbm>> -> memref<128xi32, #tpu.memory_space<hbm>>
      %dma_start3A_73 = arith.constant 128 : i32
      %dma_start3A_74 = tpu.memref_slice %arg6[%dma_start3A_73] : memref<256xi32, #tpu.memory_space<vmem>> -> memref<128xi32, #tpu.memory_space<vmem>>
      %dma_start3A_75 = tpu.memref_slice %arg2[%add3A_6] : memref<106496xi32, #tpu.memory_space<hbm>> -> memref<128xi32, #tpu.memory_space<hbm>>
      tpu.enqueue_dma source(%dma_start3A_75 : memref<128xi32, #tpu.memory_space<hbm>>) target(%dma_start3A_74 : memref<128xi32, #tpu.memory_space<vmem>>) target_semaphore(%run_scoped3A : memref<!tpu.dma_semaphore, #tpu.memory_space<semaphore_mem>>)
      %dma_wait3A_76 = arith.constant 128 : i32
      %dma_wait3A_77 = tpu.memref_slice %arg6[%dma_wait3A_76] : memref<256xi32, #tpu.memory_space<vmem>> -> memref<128xi32, #tpu.memory_space<vmem>>
      %dma_wait3A_78 = tpu.memref_slice %arg2[%add3A_6] : memref<106496xi32, #tpu.memory_space<hbm>> -> memref<128xi32, #tpu.memory_space<hbm>>
      %dma_wait3A_79 = arith.constant 128 : i32
      %dma_wait3A_80 = tpu.memref_slice %arg6[%dma_wait3A_79] : memref<256xi32, #tpu.memory_space<vmem>> -> memref<128xi32, #tpu.memory_space<vmem>>
      %dma_wait3A_81 = tpu.memref_slice %arg2[%add3A_6] : memref<106496xi32, #tpu.memory_space<hbm>> -> memref<128xi32, #tpu.memory_space<hbm>>
      tpu.wait_dma2 semaphore(%run_scoped3A : memref<!tpu.dma_semaphore, #tpu.memory_space<semaphore_mem>>) src(%dma_wait3A_81 : memref<128xi32, #tpu.memory_space<hbm>>) dst(%dma_wait3A_80 : memref<128xi32, #tpu.memory_space<vmem>>)
      tpu.yield
    }) : () -> ()
    %scan3A = arith.constant 0 : i32
    %scan3A_7 = arith.constant 0 : i32
    %scan3A_8 = arith.constant 16 : i32
    %scan3A_9 = arith.addi %scan3A_7, %scan3A_8 : i32
    %scan3A_10 = arith.constant 1 : i32
    %scan3A_11 = scf.for %scan3A_71 = %scan3A_7 to %scan3A_9 step %scan3A_10 iter_args(%scan3A_72 = %scan3A) -> (i32)  : i32 {
      %jit3A = arith.constant 8 : i32
      %div3A = arith.divsi %scan3A_71, %jit3A : i32
      %sign3A = arith.constant 0 : i32
      %sign3A_73 = arith.cmpi sgt, %scan3A_71, %sign3A : i32
      %sign3A_74 = arith.extui %sign3A_73 : i1 to i32
      %sign3A_75 = arith.constant 0 : i32
      %sign3A_76 = arith.cmpi slt, %scan3A_71, %sign3A_75 : i32
      %sign3A_77 = arith.extui %sign3A_76 : i1 to i32
      %sign3A_78 = arith.subi %sign3A_74, %sign3A_77 : i32
      %sign3A_79 = arith.constant 0 : i32
      %sign3A_80 = arith.cmpi sgt, %jit3A, %sign3A_79 : i32
      %sign3A_81 = arith.extui %sign3A_80 : i1 to i32
      %sign3A_82 = arith.constant 0 : i32
      %sign3A_83 = arith.cmpi slt, %jit3A, %sign3A_82 : i32
      %sign3A_84 = arith.extui %sign3A_83 : i1 to i32
      %sign3A_85 = arith.subi %sign3A_81, %sign3A_84 : i32
      %ne3A = arith.cmpi ne, %sign3A_78, %sign3A_85 : i32
      %rem3A = arith.remsi %scan3A_71, %jit3A : i32
      %ne3A_86 = arith.constant 0 : i32
      %ne3A_87 = arith.cmpi ne, %rem3A, %ne3A_86 : i32
      %and3A = arith.andi %ne3A, %ne3A_87 : i1
      %sub3A = arith.constant 1 : i32
      %sub3A_88 = arith.subi %div3A, %sub3A : i32
      %select_n3A = arith.select %and3A, %sub3A_88, %div3A : i32
      %add3A_89 = arith.constant 0 : i32
      %add3A_90 = arith.addi %add3A_89, %select_n3A : i32
      %mul3A_91 = arith.constant 16 : i32
      %mul3A_92 = arith.muli %scan3A_71, %mul3A_91 : i32
      %get3A = arith.index_cast %mul3A_92 : i32 to index
      %get3A_93 = tpu.vector_load %arg6[%get3A] {strides = array<i32>} : memref<256xi32, #tpu.memory_space<vmem>>, vector<16xi32>,
      %get3A_94 = vector.shape_cast %get3A_93 : vector<16xi32> to vector<16xi32>
      %mul3A_95 = arith.constant 40000 : i32
      %mul3A_96 = arith.muli %add3A_90, %mul3A_95 : i32
      %add3A_97 = vector.broadcast %mul3A_96 : i32 to vector<16xi32>
      %add3A_98 = arith.addi %get3A_94, %add3A_97 : vector<16xi32>
      %shift_right_logical3A = arith.constant 7 : i32
      %shift_right_logical3A_99 = vector.broadcast %shift_right_logical3A : i32 to vector<16xi32>
      %shift_right_logical3A_100 = arith.shrui %add3A_98, %shift_right_logical3A_99 : vector<16xi32>
      %and3A_101 = arith.constant 127 : i32
      %and3A_102 = vector.broadcast %and3A_101 : i32 to vector<16xi32>
      %and3A_103 = arith.andi %add3A_98, %and3A_102 : vector<16xi32>
      %mul3A_104 = arith.constant 1024 : i32
      %mul3A_105 = vector.broadcast %mul3A_104 : i32 to vector<16xi32>
      %mul3A_106 = arith.muli %shift_right_logical3A_100, %mul3A_105 : vector<16xi32>
      %add3A_107 = arith.addi %mul3A_106, %and3A_103 : vector<16xi32>
      %mul3A_108 = arith.constant 16 : i32
      %mul3A_109 = arith.muli %scan3A_71, %mul3A_108 : i32
      %swap3A = arith.index_cast %mul3A_109 : i32 to index
      %swap3A_110 = tpu.vector_load %arg6[%swap3A] {strides = array<i32>} : memref<256xi32, #tpu.memory_space<vmem>>, vector<16xi32>,
      %swap3A_111 = vector.shape_cast %swap3A_110 : vector<16xi32> to vector<16xi32>
      %swap3A_112 = vector.shape_cast %add3A_107 : vector<16xi32> to vector<16xi32>
      tpu.vector_store %arg6[%swap3A], %swap3A_112 {strides = array<i32>} : memref<256xi32, #tpu.memory_space<vmem>>, vector<16xi32>,
      %scan3A_113 = arith.constant 0 : i32
      scf.yield %scan3A_113 : i32
    }
    %scan3A_12 = arith.constant 16 : i32
    %scan3A_13 = arith.constant 0 : i32
    %scan3A_14 = arith.constant 0 : i32
    %scan3A_15 = arith.constant 64 : i32
    %scan3A_16 = arith.addi %scan3A_14, %scan3A_15 : i32
    %scan3A_17 = arith.constant 1 : i32
    %scan3A_18 = scf.for %scan3A_71 = %scan3A_14 to %scan3A_16 step %scan3A_17 iter_args(%scan3A_72 = %scan3A_13) -> (i32)  : i32 {
      %jit3A = arith.constant 8 : i32
      %div3A = arith.divsi %scan3A_71, %jit3A : i32
      %sign3A = arith.constant 0 : i32
      %sign3A_73 = arith.cmpi sgt, %scan3A_71, %sign3A : i32
      %sign3A_74 = arith.extui %sign3A_73 : i1 to i32
      %sign3A_75 = arith.constant 0 : i32
      %sign3A_76 = arith.cmpi slt, %scan3A_71, %sign3A_75 : i32
      %sign3A_77 = arith.extui %sign3A_76 : i1 to i32
      %sign3A_78 = arith.subi %sign3A_74, %sign3A_77 : i32
      %sign3A_79 = arith.constant 0 : i32
      %sign3A_80 = arith.cmpi sgt, %jit3A, %sign3A_79 : i32
      %sign3A_81 = arith.extui %sign3A_80 : i1 to i32
      %sign3A_82 = arith.constant 0 : i32
      %sign3A_83 = arith.cmpi slt, %jit3A, %sign3A_82 : i32
      %sign3A_84 = arith.extui %sign3A_83 : i1 to i32
      %sign3A_85 = arith.subi %sign3A_81, %sign3A_84 : i32
      %ne3A = arith.cmpi ne, %sign3A_78, %sign3A_85 : i32
      %rem3A = arith.remsi %scan3A_71, %jit3A : i32
      %ne3A_86 = arith.constant 0 : i32
      %ne3A_87 = arith.cmpi ne, %rem3A, %ne3A_86 : i32
      %and3A = arith.andi %ne3A, %ne3A_87 : i1
      %sub3A = arith.constant 1 : i32
      %sub3A_88 = arith.subi %div3A, %sub3A : i32
      %select_n3A = arith.select %and3A, %sub3A_88, %div3A : i32
      %mul3A_89 = arith.constant 8320000 : i32
      %mul3A_90 = arith.muli %select_n3A, %mul3A_89 : i32
      %jit3A_91 = arith.constant 8 : i32
      %eq3A = arith.constant 0 : i32
      %eq3A_92 = arith.cmpi eq, %jit3A_91, %eq3A : i32
      %jit3A_93 = arith.constant 1 : i32
      %select_n3A_94 = arith.select %eq3A_92, %jit3A_93, %jit3A_91 : i32
      %rem3A_95 = arith.remsi %scan3A_71, %select_n3A_94 : i32
      %ne3A_96 = arith.constant 0 : i32
      %ne3A_97 = arith.cmpi ne, %rem3A_95, %ne3A_96 : i32
      %lt3A = arith.constant 0 : i32
      %lt3A_98 = arith.cmpi slt, %rem3A_95, %lt3A : i32
      %lt3A_99 = arith.constant 0 : i32
      %lt3A_100 = arith.cmpi slt, %select_n3A_94, %lt3A_99 : i32
      %ne3A_101 = arith.xori %lt3A_98, %lt3A_100 : i1
      %and3A_102 = arith.andi %ne3A_101, %ne3A_97 : i1
      %add3A_103 = arith.addi %rem3A_95, %select_n3A_94 : i32
      %select_n3A_104 = arith.select %and3A_102, %add3A_103, %rem3A_95 : i32
      %mul3A_105 = arith.constant 128 : i32
      %mul3A_106 = arith.muli %select_n3A_104, %mul3A_105 : i32
      %add3A_107 = arith.addi %mul3A_90, %mul3A_106 : i32
      %scan3A_108 = arith.constant 0 : i32
      %scan3A_109 = arith.constant 0 : i32
      %scan3A_110 = arith.constant 16 : i32
      %scan3A_111 = arith.addi %scan3A_109, %scan3A_110 : i32
      %scan3A_112 = arith.constant 1 : i32
      %scan3A_113 = scf.for %scan3A_116 = %scan3A_109 to %scan3A_111 step %scan3A_112 iter_args(%scan3A_117 = %scan3A_108) -> (i32)  : i32 {
        %mul3A_118 = arith.constant 16 : i32
        %mul3A_119 = arith.muli %scan3A_116, %mul3A_118 : i32
        %get3A = arith.index_cast %mul3A_119 : i32 to index
        %get3A_120 = tpu.vector_load %arg6[%get3A] {strides = array<i32>} : memref<256xi32, #tpu.memory_space<vmem>>, vector<16xi32>,
        %get3A_121 = vector.shape_cast %get3A_120 : vector<16xi32> to vector<16xi32>
        %add3A_122 = vector.broadcast %add3A_107 : i32 to vector<16xi32>
        %add3A_123 = arith.addi %get3A_121, %add3A_122 : vector<16xi32>
        %mul3A_124 = arith.constant 16 : i32
        %mul3A_125 = arith.muli %scan3A_116, %mul3A_124 : i32
        %swap3A = arith.index_cast %scan3A_71 : i32 to index
        %swap3A_126 = arith.index_cast %mul3A_125 : i32 to index
        %swap3A_127 = tpu.vector_load %arg7[%swap3A, %swap3A_126] {strides = array<i32>} : memref<64x256xi32, #tpu.memory_space<vmem>>, vector<1x16xi32>,
        %swap3A_128 = vector.shape_cast %swap3A_127 : vector<1x16xi32> to vector<16xi32>
        %swap3A_129 = vector.shape_cast %add3A_123 : vector<16xi32> to vector<1x16xi32>
        tpu.vector_store %arg7[%swap3A, %swap3A_126], %swap3A_129 {strides = array<i32>} : memref<64x256xi32, #tpu.memory_space<vmem>>, vector<1x16xi32>,
        %scan3A_130 = arith.constant 0 : i32
        scf.yield %scan3A_130 : i32
      }
      %scan3A_114 = arith.constant 16 : i32
      %scan3A_115 = arith.constant 0 : i32
      scf.yield %scan3A_115 : i32
    }
    %scan3A_19 = arith.constant 64 : i32
    %scan3A_20 = arith.constant 0 : i32
    %scan3A_21 = arith.constant 0 : i32
    %scan3A_22 = arith.constant 64 : i32
    %scan3A_23 = arith.addi %scan3A_21, %scan3A_22 : i32
    %scan3A_24 = arith.constant 1 : i32
    %scan3A_25 = scf.for %scan3A_71 = %scan3A_21 to %scan3A_23 step %scan3A_24 iter_args(%scan3A_72 = %scan3A_20) -> (i32)  : i32 {
      %jit3A = arith.constant 8 : i32
      %div3A = arith.divsi %scan3A_71, %jit3A : i32
      %sign3A = arith.constant 0 : i32
      %sign3A_73 = arith.cmpi sgt, %scan3A_71, %sign3A : i32
      %sign3A_74 = arith.extui %sign3A_73 : i1 to i32
      %sign3A_75 = arith.constant 0 : i32
      %sign3A_76 = arith.cmpi slt, %scan3A_71, %sign3A_75 : i32
      %sign3A_77 = arith.extui %sign3A_76 : i1 to i32
      %sign3A_78 = arith.subi %sign3A_74, %sign3A_77 : i32
      %sign3A_79 = arith.constant 0 : i32
      %sign3A_80 = arith.cmpi sgt, %jit3A, %sign3A_79 : i32
      %sign3A_81 = arith.extui %sign3A_80 : i1 to i32
      %sign3A_82 = arith.constant 0 : i32
      %sign3A_83 = arith.cmpi slt, %jit3A, %sign3A_82 : i32
      %sign3A_84 = arith.extui %sign3A_83 : i1 to i32
      %sign3A_85 = arith.subi %sign3A_81, %sign3A_84 : i32
      %ne3A = arith.cmpi ne, %sign3A_78, %sign3A_85 : i32
      %rem3A = arith.remsi %scan3A_71, %jit3A : i32
      %ne3A_86 = arith.constant 0 : i32
      %ne3A_87 = arith.cmpi ne, %rem3A, %ne3A_86 : i32
      %and3A = arith.andi %ne3A, %ne3A_87 : i1
      %sub3A = arith.constant 1 : i32
      %sub3A_88 = arith.subi %div3A, %sub3A : i32
      %select_n3A = arith.select %and3A, %sub3A_88, %div3A : i32
      %jit3A_89 = arith.constant 8 : i32
      %eq3A = arith.constant 0 : i32
      %eq3A_90 = arith.cmpi eq, %jit3A_89, %eq3A : i32
      %jit3A_91 = arith.constant 1 : i32
      %select_n3A_92 = arith.select %eq3A_90, %jit3A_91, %jit3A_89 : i32
      %rem3A_93 = arith.remsi %scan3A_71, %select_n3A_92 : i32
      %ne3A_94 = arith.constant 0 : i32
      %ne3A_95 = arith.cmpi ne, %rem3A_93, %ne3A_94 : i32
      %lt3A = arith.constant 0 : i32
      %lt3A_96 = arith.cmpi slt, %rem3A_93, %lt3A : i32
      %lt3A_97 = arith.constant 0 : i32
      %lt3A_98 = arith.cmpi slt, %select_n3A_92, %lt3A_97 : i32
      %ne3A_99 = arith.xori %lt3A_96, %lt3A_98 : i1
      %and3A_100 = arith.andi %ne3A_99, %ne3A_95 : i1
      %add3A_101 = arith.addi %rem3A_93, %select_n3A_92 : i32
      %select_n3A_102 = arith.select %and3A_100, %add3A_101, %rem3A_93 : i32
      %dma_start3A = arith.constant 0 : i32
      %dma_start3A_103 = tpu.memref_slice %arg9[%select_n3A, %select_n3A_102, %dma_start3A] : memref<8x8x256xf32, #tpu.memory_space<vmem>> -> memref<1x1x256xf32, #tpu.memory_space<vmem>>
      %dma_start3A_104 = tpu.memref_squeeze %dma_start3A_103 : memref<1x1x256xf32, #tpu.memory_space<vmem>> -> memref<256xf32, #tpu.memory_space<vmem>>
      %dma_start3A_105 = arith.constant 0 : i32
      %dma_start3A_106 = tpu.memref_slice %arg7[%scan3A_71, %dma_start3A_105] : memref<64x256xi32, #tpu.memory_space<vmem>> -> memref<1x256xi32, #tpu.memory_space<vmem>>
      %dma_start3A_107 = tpu.memref_squeeze %dma_start3A_106 : memref<1x256xi32, #tpu.memory_space<vmem>> -> memref<256xi32, #tpu.memory_space<vmem>>
      %dma_start3A_108 = arith.constant 0 : i32
      %dma_start3A_109 = tpu.memref_slice %arg3[%dma_start3A_108] : memref<66560000xf32, #tpu.memory_space<hbm>> -> memref<66560000xf32, #tpu.memory_space<hbm>>
      tpu.enqueue_indirect_dma source(%dma_start3A_109 : memref<66560000xf32, #tpu.memory_space<hbm>>) target(%dma_start3A_104 : memref<256xf32, #tpu.memory_space<vmem>>) offsets(%dma_start3A_107 : memref<256xi32, #tpu.memory_space<vmem>>) semaphore(%arg11 : memref<!tpu.dma_semaphore, #tpu.memory_space<semaphore_mem>>)
      %scan3A_110 = arith.constant 0 : i32
      scf.yield %scan3A_110 : i32
    }
    %scan3A_26 = arith.constant 64 : i32
    %scan3A_27 = arith.constant 0 : i32
    %scan3A_28 = arith.constant 1 : i32
    %scan3A_29 = arith.constant 12 : i32
    %scan3A_30 = arith.addi %scan3A_28, %scan3A_29 : i32
    %scan3A_31 = arith.constant 1 : i32
    %scan3A_32 = scf.for %scan3A_71 = %scan3A_28 to %scan3A_30 step %scan3A_31 iter_args(%scan3A_72 = %scan3A_27) -> (i32)  : i32 {
      %rem3A = arith.constant 2 : i32
      %rem3A_73 = arith.remsi %scan3A_71, %rem3A : i32
      %eq3A = arith.constant 1 : i32
      %eq3A_74 = arith.cmpi eq, %rem3A_73, %eq3A : i32
      %convert_element_type3A = arith.extui %eq3A_74 : i1 to i32
      %cond3A = arith.constant 0 : i32
      %cond3A_75 = arith.cmpi ne, %convert_element_type3A, %cond3A : i32
      scf.if %cond3A_75 {
        %ge3A = arith.constant 2 : i32
        %ge3A_81 = arith.cmpi sge, %scan3A_71, %ge3A : i32
        %convert_element_type3A_82 = arith.extui %ge3A_81 : i1 to i32
        %cond3A_83 = arith.constant 0 : i32
        %cond3A_84 = arith.cmpi ne, %convert_element_type3A_82, %cond3A_83 : i32
        scf.if %cond3A_84 {
          %dma_wait3A_149 = arith.constant 0 : i32
          %dma_wait3A_150 = arith.constant 0 : i32
          %dma_wait3A_151 = arith.constant 0 : i32
          %dma_wait3A_152 = tpu.memref_slice %arg4[%dma_wait3A_149, %dma_wait3A_150, %dma_wait3A_151] : memref<8x8x256xf32, #tpu.memory_space<hbm>> -> memref<8x8x256xf32, #tpu.memory_space<hbm>>
          %dma_wait3A_153 = arith.constant 0 : i32
          %dma_wait3A_154 = arith.constant 0 : i32
          %dma_wait3A_155 = arith.constant 0 : i32
          %dma_wait3A_156 = tpu.memref_slice %arg4[%dma_wait3A_153, %dma_wait3A_154, %dma_wait3A_155] : memref<8x8x256xf32, #tpu.memory_space<hbm>> -> memref<8x8x256xf32, #tpu.memory_space<hbm>>
          tpu.wait_dma2 semaphore(%arg14 : memref<!tpu.dma_semaphore, #tpu.memory_space<semaphore_mem>>) src(%dma_wait3A_156 : memref<8x8x256xf32, #tpu.memory_space<hbm>>) dst(%arg10 : memref<8x8x256xf32, #tpu.memory_space<vmem>>)
        } else {
        }
        %mul3A_85 = arith.constant 2 : i32
        %mul3A_86 = arith.muli %mul3A_85, %scan3A_71 : i32
        %mul3A_87 = arith.constant 4096 : i32
        %mul3A_88 = arith.muli %mul3A_86, %mul3A_87 : i32
        %add3A_89 = arith.addi %mul3A_88, %mul3A_2 : i32
        "tpu.region"() ({
          %run_scoped3A = tpu.sem_alloc : memref<!tpu.dma_semaphore, #tpu.memory_space<semaphore_mem>>
          %dma_start3A = arith.constant 0 : i32
          %dma_start3A_149 = tpu.memref_slice %arg6[%dma_start3A] : memref<256xi32, #tpu.memory_space<vmem>> -> memref<128xi32, #tpu.memory_space<vmem>>
          %dma_start3A_150 = tpu.memref_slice %arg2[%add3A_89] : memref<106496xi32, #tpu.memory_space<hbm>> -> memref<128xi32, #tpu.memory_space<hbm>>
          %dma_start3A_151 = arith.constant 0 : i32
          %dma_start3A_152 = tpu.memref_slice %arg6[%dma_start3A_151] : memref<256xi32, #tpu.memory_space<vmem>> -> memref<128xi32, #tpu.memory_space<vmem>>
          %dma_start3A_153 = tpu.memref_slice %arg2[%add3A_89] : memref<106496xi32, #tpu.memory_space<hbm>> -> memref<128xi32, #tpu.memory_space<hbm>>
          tpu.enqueue_dma source(%dma_start3A_153 : memref<128xi32, #tpu.memory_space<hbm>>) target(%dma_start3A_152 : memref<128xi32, #tpu.memory_space<vmem>>) target_semaphore(%run_scoped3A : memref<!tpu.dma_semaphore, #tpu.memory_space<semaphore_mem>>)
          %dma_wait3A_154 = arith.constant 0 : i32
          %dma_wait3A_155 = tpu.memref_slice %arg6[%dma_wait3A_154] : memref<256xi32, #tpu.memory_space<vmem>> -> memref<128xi32, #tpu.memory_space<vmem>>
          %dma_wait3A_156 = tpu.memref_slice %arg2[%add3A_89] : memref<106496xi32, #tpu.memory_space<hbm>> -> memref<128xi32, #tpu.memory_space<hbm>>
          %dma_wait3A_157 = arith.constant 0 : i32
          %dma_wait3A_158 = tpu.memref_slice %arg6[%dma_wait3A_157] : memref<256xi32, #tpu.memory_space<vmem>> -> memref<128xi32, #tpu.memory_space<vmem>>
          %dma_wait3A_159 = tpu.memref_slice %arg2[%add3A_89] : memref<106496xi32, #tpu.memory_space<hbm>> -> memref<128xi32, #tpu.memory_space<hbm>>
          tpu.wait_dma2 semaphore(%run_scoped3A : memref<!tpu.dma_semaphore, #tpu.memory_space<semaphore_mem>>) src(%dma_wait3A_159 : memref<128xi32, #tpu.memory_space<hbm>>) dst(%dma_wait3A_158 : memref<128xi32, #tpu.memory_space<vmem>>)
          tpu.yield
        }) : () -> ()
        %mul3A_90 = arith.constant 2 : i32
        %mul3A_91 = arith.muli %mul3A_90, %scan3A_71 : i32
        %add3A_92 = arith.constant 1 : i32
        %add3A_93 = arith.addi %mul3A_91, %add3A_92 : i32
        %mul3A_94 = arith.constant 4096 : i32
        %mul3A_95 = arith.muli %add3A_93, %mul3A_94 : i32
        %add3A_96 = arith.addi %mul3A_95, %mul3A_2 : i32
        "tpu.region"() ({
          %run_scoped3A = tpu.sem_alloc : memref<!tpu.dma_semaphore, #tpu.memory_space<semaphore_mem>>
          %dma_start3A = arith.constant 128 : i32
          %dma_start3A_149 = tpu.memref_slice %arg6[%dma_start3A] : memref<256xi32, #tpu.memory_space<vmem>> -> memref<128xi32, #tpu.memory_space<vmem>>
          %dma_start3A_150 = tpu.memref_slice %arg2[%add3A_96] : memref<106496xi32, #tpu.memory_space<hbm>> -> memref<128xi32, #tpu.memory_space<hbm>>
          %dma_start3A_151 = arith.constant 128 : i32
          %dma_start3A_152 = tpu.memref_slice %arg6[%dma_start3A_151] : memref<256xi32, #tpu.memory_space<vmem>> -> memref<128xi32, #tpu.memory_space<vmem>>
          %dma_start3A_153 = tpu.memref_slice %arg2[%add3A_96] : memref<106496xi32, #tpu.memory_space<hbm>> -> memref<128xi32, #tpu.memory_space<hbm>>
          tpu.enqueue_dma source(%dma_start3A_153 : memref<128xi32, #tpu.memory_space<hbm>>) target(%dma_start3A_152 : memref<128xi32, #tpu.memory_space<vmem>>) target_semaphore(%run_scoped3A : memref<!tpu.dma_semaphore, #tpu.memory_space<semaphore_mem>>)
          %dma_wait3A_154 = arith.constant 128 : i32
          %dma_wait3A_155 = tpu.memref_slice %arg6[%dma_wait3A_154] : memref<256xi32, #tpu.memory_space<vmem>> -> memref<128xi32, #tpu.memory_space<vmem>>
          %dma_wait3A_156 = tpu.memref_slice %arg2[%add3A_96] : memref<106496xi32, #tpu.memory_space<hbm>> -> memref<128xi32, #tpu.memory_space<hbm>>
          %dma_wait3A_157 = arith.constant 128 : i32
          %dma_wait3A_158 = tpu.memref_slice %arg6[%dma_wait3A_157] : memref<256xi32, #tpu.memory_space<vmem>> -> memref<128xi32, #tpu.memory_space<vmem>>
          %dma_wait3A_159 = tpu.memref_slice %arg2[%add3A_96] : memref<106496xi32, #tpu.memory_space<hbm>> -> memref<128xi32, #tpu.memory_space<hbm>>
          tpu.wait_dma2 semaphore(%run_scoped3A : memref<!tpu.dma_semaphore, #tpu.memory_space<semaphore_mem>>) src(%dma_wait3A_159 : memref<128xi32, #tpu.memory_space<hbm>>) dst(%dma_wait3A_158 : memref<128xi32, #tpu.memory_space<vmem>>)
          tpu.yield
        }) : () -> ()
        %scan3A_97 = arith.constant 0 : i32
        %scan3A_98 = arith.constant 0 : i32
        %scan3A_99 = arith.constant 16 : i32
        %scan3A_100 = arith.addi %scan3A_98, %scan3A_99 : i32
        %scan3A_101 = arith.constant 1 : i32
        %scan3A_102 = scf.for %scan3A_149 = %scan3A_98 to %scan3A_100 step %scan3A_101 iter_args(%scan3A_150 = %scan3A_97) -> (i32)  : i32 {
          %mul3A_151 = arith.constant 2 : i32
          %mul3A_152 = arith.muli %mul3A_151, %scan3A_71 : i32
          %jit3A = arith.constant 8 : i32
          %div3A = arith.divsi %scan3A_149, %jit3A : i32
          %sign3A = arith.constant 0 : i32
          %sign3A_153 = arith.cmpi sgt, %scan3A_149, %sign3A : i32
          %sign3A_154 = arith.extui %sign3A_153 : i1 to i32
          %sign3A_155 = arith.constant 0 : i32
          %sign3A_156 = arith.cmpi slt, %scan3A_149, %sign3A_155 : i32
          %sign3A_157 = arith.extui %sign3A_156 : i1 to i32
          %sign3A_158 = arith.subi %sign3A_154, %sign3A_157 : i32
          %sign3A_159 = arith.constant 0 : i32
          %sign3A_160 = arith.cmpi sgt, %jit3A, %sign3A_159 : i32
          %sign3A_161 = arith.extui %sign3A_160 : i1 to i32
          %sign3A_162 = arith.constant 0 : i32
          %sign3A_163 = arith.cmpi slt, %jit3A, %sign3A_162 : i32
          %sign3A_164 = arith.extui %sign3A_163 : i1 to i32
          %sign3A_165 = arith.subi %sign3A_161, %sign3A_164 : i32
          %ne3A = arith.cmpi ne, %sign3A_158, %sign3A_165 : i32
          %rem3A_166 = arith.remsi %scan3A_149, %jit3A : i32
          %ne3A_167 = arith.constant 0 : i32
          %ne3A_168 = arith.cmpi ne, %rem3A_166, %ne3A_167 : i32
          %and3A = arith.andi %ne3A, %ne3A_168 : i1
          %sub3A_169 = arith.constant 1 : i32
          %sub3A_170 = arith.subi %div3A, %sub3A_169 : i32
          %select_n3A = arith.select %and3A, %sub3A_170, %div3A : i32
          %add3A_171 = arith.addi %mul3A_152, %select_n3A : i32
          %mul3A_172 = arith.constant 16 : i32
          %mul3A_173 = arith.muli %scan3A_149, %mul3A_172 : i32
          %get3A = arith.index_cast %mul3A_173 : i32 to index
          %get3A_174 = tpu.vector_load %arg6[%get3A] {strides = array<i32>} : memref<256xi32, #tpu.memory_space<vmem>>, vector<16xi32>,
          %get3A_175 = vector.shape_cast %get3A_174 : vector<16xi32> to vector<16xi32>
          %mul3A_176 = arith.constant 40000 : i32
          %mul3A_177 = arith.muli %add3A_171, %mul3A_176 : i32
          %add3A_178 = vector.broadcast %mul3A_177 : i32 to vector<16xi32>
          %add3A_179 = arith.addi %get3A_175, %add3A_178 : vector<16xi32>
          %shift_right_logical3A = arith.constant 7 : i32
          %shift_right_logical3A_180 = vector.broadcast %shift_right_logical3A : i32 to vector<16xi32>
          %shift_right_logical3A_181 = arith.shrui %add3A_179, %shift_right_logical3A_180 : vector<16xi32>
          %and3A_182 = arith.constant 127 : i32
          %and3A_183 = vector.broadcast %and3A_182 : i32 to vector<16xi32>
          %and3A_184 = arith.andi %add3A_179, %and3A_183 : vector<16xi32>
          %mul3A_185 = arith.constant 1024 : i32
          %mul3A_186 = vector.broadcast %mul3A_185 : i32 to vector<16xi32>
          %mul3A_187 = arith.muli %shift_right_logical3A_181, %mul3A_186 : vector<16xi32>
          %add3A_188 = arith.addi %mul3A_187, %and3A_184 : vector<16xi32>
          %mul3A_189 = arith.constant 16 : i32
          %mul3A_190 = arith.muli %scan3A_149, %mul3A_189 : i32
          %swap3A = arith.index_cast %mul3A_190 : i32 to index
          %swap3A_191 = tpu.vector_load %arg6[%swap3A] {strides = array<i32>} : memref<256xi32, #tpu.memory_space<vmem>>, vector<16xi32>,
          %swap3A_192 = vector.shape_cast %swap3A_191 : vector<16xi32> to vector<16xi32>
          %swap3A_193 = vector.shape_cast %add3A_188 : vector<16xi32> to vector<16xi32>
          tpu.vector_store %arg6[%swap3A], %swap3A_193 {strides = array<i32>} : memref<256xi32, #tpu.memory_space<vmem>>, vector<16xi32>,
          %scan3A_194 = arith.constant 0 : i32
          scf.yield %scan3A_194 : i32
        }
        %scan3A_103 = arith.constant 16 : i32
        %scan3A_104 = arith.constant 0 : i32
        %scan3A_105 = arith.constant 0 : i32
        %scan3A_106 = arith.constant 64 : i32
        %scan3A_107 = arith.addi %scan3A_105, %scan3A_106 : i32
        %scan3A_108 = arith.constant 1 : i32
        %scan3A_109 = scf.for %scan3A_149 = %scan3A_105 to %scan3A_107 step %scan3A_108 iter_args(%scan3A_150 = %scan3A_104) -> (i32)  : i32 {
          %jit3A = arith.constant 8 : i32
          %div3A = arith.divsi %scan3A_149, %jit3A : i32
          %sign3A = arith.constant 0 : i32
          %sign3A_151 = arith.cmpi sgt, %scan3A_149, %sign3A : i32
          %sign3A_152 = arith.extui %sign3A_151 : i1 to i32
          %sign3A_153 = arith.constant 0 : i32
          %sign3A_154 = arith.cmpi slt, %scan3A_149, %sign3A_153 : i32
          %sign3A_155 = arith.extui %sign3A_154 : i1 to i32
          %sign3A_156 = arith.subi %sign3A_152, %sign3A_155 : i32
          %sign3A_157 = arith.constant 0 : i32
          %sign3A_158 = arith.cmpi sgt, %jit3A, %sign3A_157 : i32
          %sign3A_159 = arith.extui %sign3A_158 : i1 to i32
          %sign3A_160 = arith.constant 0 : i32
          %sign3A_161 = arith.cmpi slt, %jit3A, %sign3A_160 : i32
          %sign3A_162 = arith.extui %sign3A_161 : i1 to i32
          %sign3A_163 = arith.subi %sign3A_159, %sign3A_162 : i32
          %ne3A = arith.cmpi ne, %sign3A_156, %sign3A_163 : i32
          %rem3A_164 = arith.remsi %scan3A_149, %jit3A : i32
          %ne3A_165 = arith.constant 0 : i32
          %ne3A_166 = arith.cmpi ne, %rem3A_164, %ne3A_165 : i32
          %and3A = arith.andi %ne3A, %ne3A_166 : i1
          %sub3A_167 = arith.constant 1 : i32
          %sub3A_168 = arith.subi %div3A, %sub3A_167 : i32
          %select_n3A = arith.select %and3A, %sub3A_168, %div3A : i32
          %mul3A_169 = arith.constant 8320000 : i32
          %mul3A_170 = arith.muli %select_n3A, %mul3A_169 : i32
          %jit3A_171 = arith.constant 8 : i32
          %eq3A_172 = arith.constant 0 : i32
          %eq3A_173 = arith.cmpi eq, %jit3A_171, %eq3A_172 : i32
          %jit3A_174 = arith.constant 1 : i32
          %select_n3A_175 = arith.select %eq3A_173, %jit3A_174, %jit3A_171 : i32
          %rem3A_176 = arith.remsi %scan3A_149, %select_n3A_175 : i32
          %ne3A_177 = arith.constant 0 : i32
          %ne3A_178 = arith.cmpi ne, %rem3A_176, %ne3A_177 : i32
          %lt3A = arith.constant 0 : i32
          %lt3A_179 = arith.cmpi slt, %rem3A_176, %lt3A : i32
          %lt3A_180 = arith.constant 0 : i32
          %lt3A_181 = arith.cmpi slt, %select_n3A_175, %lt3A_180 : i32
          %ne3A_182 = arith.xori %lt3A_179, %lt3A_181 : i1
          %and3A_183 = arith.andi %ne3A_182, %ne3A_178 : i1
          %add3A_184 = arith.addi %rem3A_176, %select_n3A_175 : i32
          %select_n3A_185 = arith.select %and3A_183, %add3A_184, %rem3A_176 : i32
          %mul3A_186 = arith.constant 128 : i32
          %mul3A_187 = arith.muli %select_n3A_185, %mul3A_186 : i32
          %add3A_188 = arith.addi %mul3A_170, %mul3A_187 : i32
          %scan3A_189 = arith.constant 0 : i32
          %scan3A_190 = arith.constant 0 : i32
          %scan3A_191 = arith.constant 16 : i32
          %scan3A_192 = arith.addi %scan3A_190, %scan3A_191 : i32
          %scan3A_193 = arith.constant 1 : i32
          %scan3A_194 = scf.for %scan3A_197 = %scan3A_190 to %scan3A_192 step %scan3A_193 iter_args(%scan3A_198 = %scan3A_189) -> (i32)  : i32 {
            %mul3A_199 = arith.constant 16 : i32
            %mul3A_200 = arith.muli %scan3A_197, %mul3A_199 : i32
            %get3A = arith.index_cast %mul3A_200 : i32 to index
            %get3A_201 = tpu.vector_load %arg6[%get3A] {strides = array<i32>} : memref<256xi32, #tpu.memory_space<vmem>>, vector<16xi32>,
            %get3A_202 = vector.shape_cast %get3A_201 : vector<16xi32> to vector<16xi32>
            %add3A_203 = vector.broadcast %add3A_188 : i32 to vector<16xi32>
            %add3A_204 = arith.addi %get3A_202, %add3A_203 : vector<16xi32>
            %mul3A_205 = arith.constant 16 : i32
            %mul3A_206 = arith.muli %scan3A_197, %mul3A_205 : i32
            %swap3A = arith.index_cast %scan3A_149 : i32 to index
            %swap3A_207 = arith.index_cast %mul3A_206 : i32 to index
            %swap3A_208 = tpu.vector_load %arg8[%swap3A, %swap3A_207] {strides = array<i32>} : memref<64x256xi32, #tpu.memory_space<vmem>>, vector<1x16xi32>,
            %swap3A_209 = vector.shape_cast %swap3A_208 : vector<1x16xi32> to vector<16xi32>
            %swap3A_210 = vector.shape_cast %add3A_204 : vector<16xi32> to vector<1x16xi32>
            tpu.vector_store %arg8[%swap3A, %swap3A_207], %swap3A_210 {strides = array<i32>} : memref<64x256xi32, #tpu.memory_space<vmem>>, vector<1x16xi32>,
            %scan3A_211 = arith.constant 0 : i32
            scf.yield %scan3A_211 : i32
          }
          %scan3A_195 = arith.constant 16 : i32
          %scan3A_196 = arith.constant 0 : i32
          scf.yield %scan3A_196 : i32
        }
        %scan3A_110 = arith.constant 64 : i32
        %scan3A_111 = arith.constant 0 : i32
        %scan3A_112 = arith.constant 0 : i32
        %scan3A_113 = arith.constant 64 : i32
        %scan3A_114 = arith.addi %scan3A_112, %scan3A_113 : i32
        %scan3A_115 = arith.constant 1 : i32
        %scan3A_116 = scf.for %scan3A_149 = %scan3A_112 to %scan3A_114 step %scan3A_115 iter_args(%scan3A_150 = %scan3A_111) -> (i32)  : i32 {
          %jit3A = arith.constant 8 : i32
          %div3A = arith.divsi %scan3A_149, %jit3A : i32
          %sign3A = arith.constant 0 : i32
          %sign3A_151 = arith.cmpi sgt, %scan3A_149, %sign3A : i32
          %sign3A_152 = arith.extui %sign3A_151 : i1 to i32
          %sign3A_153 = arith.constant 0 : i32
          %sign3A_154 = arith.cmpi slt, %scan3A_149, %sign3A_153 : i32
          %sign3A_155 = arith.extui %sign3A_154 : i1 to i32
          %sign3A_156 = arith.subi %sign3A_152, %sign3A_155 : i32
          %sign3A_157 = arith.constant 0 : i32
          %sign3A_158 = arith.cmpi sgt, %jit3A, %sign3A_157 : i32
          %sign3A_159 = arith.extui %sign3A_158 : i1 to i32
          %sign3A_160 = arith.constant 0 : i32
          %sign3A_161 = arith.cmpi slt, %jit3A, %sign3A_160 : i32
          %sign3A_162 = arith.extui %sign3A_161 : i1 to i32
          %sign3A_163 = arith.subi %sign3A_159, %sign3A_162 : i32
          %ne3A = arith.cmpi ne, %sign3A_156, %sign3A_163 : i32
          %rem3A_164 = arith.remsi %scan3A_149, %jit3A : i32
          %ne3A_165 = arith.constant 0 : i32
          %ne3A_166 = arith.cmpi ne, %rem3A_164, %ne3A_165 : i32
          %and3A = arith.andi %ne3A, %ne3A_166 : i1
          %sub3A_167 = arith.constant 1 : i32
          %sub3A_168 = arith.subi %div3A, %sub3A_167 : i32
          %select_n3A = arith.select %and3A, %sub3A_168, %div3A : i32
          %jit3A_169 = arith.constant 8 : i32
          %eq3A_170 = arith.constant 0 : i32
          %eq3A_171 = arith.cmpi eq, %jit3A_169, %eq3A_170 : i32
          %jit3A_172 = arith.constant 1 : i32
          %select_n3A_173 = arith.select %eq3A_171, %jit3A_172, %jit3A_169 : i32
          %rem3A_174 = arith.remsi %scan3A_149, %select_n3A_173 : i32
          %ne3A_175 = arith.constant 0 : i32
          %ne3A_176 = arith.cmpi ne, %rem3A_174, %ne3A_175 : i32
          %lt3A = arith.constant 0 : i32
          %lt3A_177 = arith.cmpi slt, %rem3A_174, %lt3A : i32
          %lt3A_178 = arith.constant 0 : i32
          %lt3A_179 = arith.cmpi slt, %select_n3A_173, %lt3A_178 : i32
          %ne3A_180 = arith.xori %lt3A_177, %lt3A_179 : i1
          %and3A_181 = arith.andi %ne3A_180, %ne3A_176 : i1
          %add3A_182 = arith.addi %rem3A_174, %select_n3A_173 : i32
          %select_n3A_183 = arith.select %and3A_181, %add3A_182, %rem3A_174 : i32
          %dma_start3A = arith.constant 0 : i32
          %dma_start3A_184 = tpu.memref_slice %arg10[%select_n3A, %select_n3A_183, %dma_start3A] : memref<8x8x256xf32, #tpu.memory_space<vmem>> -> memref<1x1x256xf32, #tpu.memory_space<vmem>>
          %dma_start3A_185 = tpu.memref_squeeze %dma_start3A_184 : memref<1x1x256xf32, #tpu.memory_space<vmem>> -> memref<256xf32, #tpu.memory_space<vmem>>
          %dma_start3A_186 = arith.constant 0 : i32
          %dma_start3A_187 = tpu.memref_slice %arg8[%scan3A_149, %dma_start3A_186] : memref<64x256xi32, #tpu.memory_space<vmem>> -> memref<1x256xi32, #tpu.memory_space<vmem>>
          %dma_start3A_188 = tpu.memref_squeeze %dma_start3A_187 : memref<1x256xi32, #tpu.memory_space<vmem>> -> memref<256xi32, #tpu.memory_space<vmem>>
          %dma_start3A_189 = arith.constant 0 : i32
          %dma_start3A_190 = tpu.memref_slice %arg3[%dma_start3A_189] : memref<66560000xf32, #tpu.memory_space<hbm>> -> memref<66560000xf32, #tpu.memory_space<hbm>>
          tpu.enqueue_indirect_dma source(%dma_start3A_190 : memref<66560000xf32, #tpu.memory_space<hbm>>) target(%dma_start3A_185 : memref<256xf32, #tpu.memory_space<vmem>>) offsets(%dma_start3A_188 : memref<256xi32, #tpu.memory_space<vmem>>) semaphore(%arg12 : memref<!tpu.dma_semaphore, #tpu.memory_space<semaphore_mem>>)
          %scan3A_191 = arith.constant 0 : i32
          scf.yield %scan3A_191 : i32
        }
        %scan3A_117 = arith.constant 64 : i32
        %dma_wait3A_118 = arith.constant 0 : i32
        %dma_wait3A_119 = arith.constant 0 : i32
        %dma_wait3A_120 = arith.constant 0 : i32
        %dma_wait3A_121 = tpu.memref_slice %arg4[%dma_wait3A_118, %dma_wait3A_119, %dma_wait3A_120] : memref<8x8x256xf32, #tpu.memory_space<hbm>> -> memref<8x8x256xf32, #tpu.memory_space<hbm>>
        %dma_wait3A_122 = arith.constant 0 : i32
        %dma_wait3A_123 = arith.constant 0 : i32
        %dma_wait3A_124 = arith.constant 0 : i32
        %dma_wait3A_125 = tpu.memref_slice %arg4[%dma_wait3A_122, %dma_wait3A_123, %dma_wait3A_124] : memref<8x8x256xf32, #tpu.memory_space<hbm>> -> memref<8x8x256xf32, #tpu.memory_space<hbm>>
        tpu.wait_dma2 semaphore(%arg11 : memref<!tpu.dma_semaphore, #tpu.memory_space<semaphore_mem>>) src(%dma_wait3A_125 : memref<8x8x256xf32, #tpu.memory_space<hbm>>) dst(%arg9 : memref<8x8x256xf32, #tpu.memory_space<vmem>>)
        %sub3A = arith.constant 1 : i32
        %sub3A_126 = arith.subi %scan3A_71, %sub3A : i32
        %mul3A_127 = arith.constant 2 : i32
        %mul3A_128 = arith.muli %mul3A_127, %sub3A_126 : i32
        %add3A_129 = arith.constant 0 : i32
        %add3A_130 = arith.addi %mul3A_128, %add3A_129 : i32
        %scan3A_131 = arith.constant 0 : i32
        %scan3A_132 = arith.constant 0 : i32
        %scan3A_133 = arith.constant 8 : i32
        %scan3A_134 = arith.addi %scan3A_132, %scan3A_133 : i32
        %scan3A_135 = arith.constant 1 : i32
        %scan3A_136 = scf.for %scan3A_149 = %scan3A_132 to %scan3A_134 step %scan3A_135 iter_args(%scan3A_150 = %scan3A_131) -> (i32)  : i32 {
          %dma_start3A = arith.constant 0 : i32
          %dma_start3A_151 = arith.constant 0 : i32
          %dma_start3A_152 = tpu.memref_slice %arg9[%scan3A_149, %dma_start3A, %dma_start3A_151] : memref<8x8x256xf32, #tpu.memory_space<vmem>> -> memref<1x8x128xf32, #tpu.memory_space<vmem>>
          %dma_start3A_153 = tpu.memref_squeeze %dma_start3A_152 : memref<1x8x128xf32, #tpu.memory_space<vmem>> -> memref<8x128xf32, #tpu.memory_space<vmem>>
          %dma_start3A_154 = arith.constant 0 : i32
          %dma_start3A_155 = arith.constant 0 : i32
          %dma_start3A_156 = tpu.memref_slice %arg5[%add3A_130, %scan3A_149, %add3A, %dma_start3A_154, %dma_start3A_155] : memref<26x8x32x8x128xf32, #tpu.memory_space<hbm>> -> memref<1x1x1x8x128xf32, #tpu.memory_space<hbm>>
          %dma_start3A_157 = tpu.memref_squeeze %dma_start3A_156 : memref<1x1x1x8x128xf32, #tpu.memory_space<hbm>> -> memref<8x128xf32, #tpu.memory_space<hbm>>
          %dma_start3A_158 = arith.constant 0 : i32
          %dma_start3A_159 = arith.constant 0 : i32
          %dma_start3A_160 = tpu.memref_slice %arg5[%add3A_130, %scan3A_149, %add3A, %dma_start3A_158, %dma_start3A_159] : memref<26x8x32x8x128xf32, #tpu.memory_space<hbm>> -> memref<1x1x1x8x128xf32, #tpu.memory_space<hbm>>
          %dma_start3A_161 = tpu.memref_squeeze %dma_start3A_160 : memref<1x1x1x8x128xf32, #tpu.memory_space<hbm>> -> memref<8x128xf32, #tpu.memory_space<hbm>>
          %dma_start3A_162 = arith.constant 0 : i32
          %dma_start3A_163 = arith.constant 0 : i32
          %dma_start3A_164 = tpu.memref_slice %arg9[%scan3A_149, %dma_start3A_162, %dma_start3A_163] : memref<8x8x256xf32, #tpu.memory_space<vmem>> -> memref<1x8x128xf32, #tpu.memory_space<vmem>>
          %dma_start3A_165 = tpu.memref_squeeze %dma_start3A_164 : memref<1x8x128xf32, #tpu.memory_space<vmem>> -> memref<8x128xf32, #tpu.memory_space<vmem>>
          tpu.enqueue_dma source(%dma_start3A_165 : memref<8x128xf32, #tpu.memory_space<vmem>>) target(%dma_start3A_161 : memref<8x128xf32, #tpu.memory_space<hbm>>) target_semaphore(%arg13 : memref<!tpu.dma_semaphore, #tpu.memory_space<semaphore_mem>>)
          %scan3A_166 = arith.constant 0 : i32
          scf.yield %scan3A_166 : i32
        }
        %scan3A_137 = arith.constant 8 : i32
        %mul3A_138 = arith.constant 2 : i32
        %mul3A_139 = arith.muli %mul3A_138, %sub3A_126 : i32
        %add3A_140 = arith.constant 1 : i32
        %add3A_141 = arith.addi %mul3A_139, %add3A_140 : i32
        %scan3A_142 = arith.constant 0 : i32
        %scan3A_143 = arith.constant 0 : i32
        %scan3A_144 = arith.constant 8 : i32
        %scan3A_145 = arith.addi %scan3A_143, %scan3A_144 : i32
        %scan3A_146 = arith.constant 1 : i32
        %scan3A_147 = scf.for %scan3A_149 = %scan3A_143 to %scan3A_145 step %scan3A_146 iter_args(%scan3A_150 = %scan3A_142) -> (i32)  : i32 {
          %dma_start3A = arith.constant 0 : i32
          %dma_start3A_151 = arith.constant 128 : i32
          %dma_start3A_152 = tpu.memref_slice %arg9[%scan3A_149, %dma_start3A, %dma_start3A_151] : memref<8x8x256xf32, #tpu.memory_space<vmem>> -> memref<1x8x128xf32, #tpu.memory_space<vmem>>
          %dma_start3A_153 = tpu.memref_squeeze %dma_start3A_152 : memref<1x8x128xf32, #tpu.memory_space<vmem>> -> memref<8x128xf32, #tpu.memory_space<vmem>>
          %dma_start3A_154 = arith.constant 0 : i32
          %dma_start3A_155 = arith.constant 0 : i32
          %dma_start3A_156 = tpu.memref_slice %arg5[%add3A_141, %scan3A_149, %add3A, %dma_start3A_154, %dma_start3A_155] : memref<26x8x32x8x128xf32, #tpu.memory_space<hbm>> -> memref<1x1x1x8x128xf32, #tpu.memory_space<hbm>>
          %dma_start3A_157 = tpu.memref_squeeze %dma_start3A_156 : memref<1x1x1x8x128xf32, #tpu.memory_space<hbm>> -> memref<8x128xf32, #tpu.memory_space<hbm>>
          %dma_start3A_158 = arith.constant 0 : i32
          %dma_start3A_159 = arith.constant 0 : i32
          %dma_start3A_160 = tpu.memref_slice %arg5[%add3A_141, %scan3A_149, %add3A, %dma_start3A_158, %dma_start3A_159] : memref<26x8x32x8x128xf32, #tpu.memory_space<hbm>> -> memref<1x1x1x8x128xf32, #tpu.memory_space<hbm>>
          %dma_start3A_161 = tpu.memref_squeeze %dma_start3A_160 : memref<1x1x1x8x128xf32, #tpu.memory_space<hbm>> -> memref<8x128xf32, #tpu.memory_space<hbm>>
          %dma_start3A_162 = arith.constant 0 : i32
          %dma_start3A_163 = arith.constant 128 : i32
          %dma_start3A_164 = tpu.memref_slice %arg9[%scan3A_149, %dma_start3A_162, %dma_start3A_163] : memref<8x8x256xf32, #tpu.memory_space<vmem>> -> memref<1x8x128xf32, #tpu.memory_space<vmem>>
          %dma_start3A_165 = tpu.memref_squeeze %dma_start3A_164 : memref<1x8x128xf32, #tpu.memory_space<vmem>> -> memref<8x128xf32, #tpu.memory_space<vmem>>
          tpu.enqueue_dma source(%dma_start3A_165 : memref<8x128xf32, #tpu.memory_space<vmem>>) target(%dma_start3A_161 : memref<8x128xf32, #tpu.memory_space<hbm>>) target_semaphore(%arg13 : memref<!tpu.dma_semaphore, #tpu.memory_space<semaphore_mem>>)
          %scan3A_166 = arith.constant 0 : i32
          scf.yield %scan3A_166 : i32
        }
        %scan3A_148 = arith.constant 8 : i32
      } else {
      }
      %not3A = arith.constant true
      %not3A_76 = arith.xori %eq3A_74, %not3A : i1
      %convert_element_type3A_77 = arith.extui %not3A_76 : i1 to i32
      %cond3A_78 = arith.constant 0 : i32
      %cond3A_79 = arith.cmpi ne, %convert_element_type3A_77, %cond3A_78 : i32
      scf.if %cond3A_79 {
        %dma_wait3A_81 = arith.constant 0 : i32
        %dma_wait3A_82 = arith.constant 0 : i32
        %dma_wait3A_83 = arith.constant 0 : i32
        %dma_wait3A_84 = tpu.memref_slice %arg4[%dma_wait3A_81, %dma_wait3A_82, %dma_wait3A_83] : memref<8x8x256xf32, #tpu.memory_space<hbm>> -> memref<8x8x256xf32, #tpu.memory_space<hbm>>
        %dma_wait3A_85 = arith.constant 0 : i32
        %dma_wait3A_86 = arith.constant 0 : i32
        %dma_wait3A_87 = arith.constant 0 : i32
        %dma_wait3A_88 = tpu.memref_slice %arg4[%dma_wait3A_85, %dma_wait3A_86, %dma_wait3A_87] : memref<8x8x256xf32, #tpu.memory_space<hbm>> -> memref<8x8x256xf32, #tpu.memory_space<hbm>>
        tpu.wait_dma2 semaphore(%arg13 : memref<!tpu.dma_semaphore, #tpu.memory_space<semaphore_mem>>) src(%dma_wait3A_88 : memref<8x8x256xf32, #tpu.memory_space<hbm>>) dst(%arg9 : memref<8x8x256xf32, #tpu.memory_space<vmem>>)
        %mul3A_89 = arith.constant 2 : i32
        %mul3A_90 = arith.muli %mul3A_89, %scan3A_71 : i32
        %mul3A_91 = arith.constant 4096 : i32
        %mul3A_92 = arith.muli %mul3A_90, %mul3A_91 : i32
        %add3A_93 = arith.addi %mul3A_92, %mul3A_2 : i32
        "tpu.region"() ({
          %run_scoped3A = tpu.sem_alloc : memref<!tpu.dma_semaphore, #tpu.memory_space<semaphore_mem>>
          %dma_start3A = arith.constant 0 : i32
          %dma_start3A_153 = tpu.memref_slice %arg6[%dma_start3A] : memref<256xi32, #tpu.memory_space<vmem>> -> memref<128xi32, #tpu.memory_space<vmem>>
          %dma_start3A_154 = tpu.memref_slice %arg2[%add3A_93] : memref<106496xi32, #tpu.memory_space<hbm>> -> memref<128xi32, #tpu.memory_space<hbm>>
          %dma_start3A_155 = arith.constant 0 : i32
          %dma_start3A_156 = tpu.memref_slice %arg6[%dma_start3A_155] : memref<256xi32, #tpu.memory_space<vmem>> -> memref<128xi32, #tpu.memory_space<vmem>>
          %dma_start3A_157 = tpu.memref_slice %arg2[%add3A_93] : memref<106496xi32, #tpu.memory_space<hbm>> -> memref<128xi32, #tpu.memory_space<hbm>>
          tpu.enqueue_dma source(%dma_start3A_157 : memref<128xi32, #tpu.memory_space<hbm>>) target(%dma_start3A_156 : memref<128xi32, #tpu.memory_space<vmem>>) target_semaphore(%run_scoped3A : memref<!tpu.dma_semaphore, #tpu.memory_space<semaphore_mem>>)
          %dma_wait3A_158 = arith.constant 0 : i32
          %dma_wait3A_159 = tpu.memref_slice %arg6[%dma_wait3A_158] : memref<256xi32, #tpu.memory_space<vmem>> -> memref<128xi32, #tpu.memory_space<vmem>>
          %dma_wait3A_160 = tpu.memref_slice %arg2[%add3A_93] : memref<106496xi32, #tpu.memory_space<hbm>> -> memref<128xi32, #tpu.memory_space<hbm>>
          %dma_wait3A_161 = arith.constant 0 : i32
          %dma_wait3A_162 = tpu.memref_slice %arg6[%dma_wait3A_161] : memref<256xi32, #tpu.memory_space<vmem>> -> memref<128xi32, #tpu.memory_space<vmem>>
          %dma_wait3A_163 = tpu.memref_slice %arg2[%add3A_93] : memref<106496xi32, #tpu.memory_space<hbm>> -> memref<128xi32, #tpu.memory_space<hbm>>
          tpu.wait_dma2 semaphore(%run_scoped3A : memref<!tpu.dma_semaphore, #tpu.memory_space<semaphore_mem>>) src(%dma_wait3A_163 : memref<128xi32, #tpu.memory_space<hbm>>) dst(%dma_wait3A_162 : memref<128xi32, #tpu.memory_space<vmem>>)
          tpu.yield
        }) : () -> ()
        %mul3A_94 = arith.constant 2 : i32
        %mul3A_95 = arith.muli %mul3A_94, %scan3A_71 : i32
        %add3A_96 = arith.constant 1 : i32
        %add3A_97 = arith.addi %mul3A_95, %add3A_96 : i32
        %mul3A_98 = arith.constant 4096 : i32
        %mul3A_99 = arith.muli %add3A_97, %mul3A_98 : i32
        %add3A_100 = arith.addi %mul3A_99, %mul3A_2 : i32
        "tpu.region"() ({
          %run_scoped3A = tpu.sem_alloc : memref<!tpu.dma_semaphore, #tpu.memory_space<semaphore_mem>>
          %dma_start3A = arith.constant 128 : i32
          %dma_start3A_153 = tpu.memref_slice %arg6[%dma_start3A] : memref<256xi32, #tpu.memory_space<vmem>> -> memref<128xi32, #tpu.memory_space<vmem>>
          %dma_start3A_154 = tpu.memref_slice %arg2[%add3A_100] : memref<106496xi32, #tpu.memory_space<hbm>> -> memref<128xi32, #tpu.memory_space<hbm>>
          %dma_start3A_155 = arith.constant 128 : i32
          %dma_start3A_156 = tpu.memref_slice %arg6[%dma_start3A_155] : memref<256xi32, #tpu.memory_space<vmem>> -> memref<128xi32, #tpu.memory_space<vmem>>
          %dma_start3A_157 = tpu.memref_slice %arg2[%add3A_100] : memref<106496xi32, #tpu.memory_space<hbm>> -> memref<128xi32, #tpu.memory_space<hbm>>
          tpu.enqueue_dma source(%dma_start3A_157 : memref<128xi32, #tpu.memory_space<hbm>>) target(%dma_start3A_156 : memref<128xi32, #tpu.memory_space<vmem>>) target_semaphore(%run_scoped3A : memref<!tpu.dma_semaphore, #tpu.memory_space<semaphore_mem>>)
          %dma_wait3A_158 = arith.constant 128 : i32
          %dma_wait3A_159 = tpu.memref_slice %arg6[%dma_wait3A_158] : memref<256xi32, #tpu.memory_space<vmem>> -> memref<128xi32, #tpu.memory_space<vmem>>
          %dma_wait3A_160 = tpu.memref_slice %arg2[%add3A_100] : memref<106496xi32, #tpu.memory_space<hbm>> -> memref<128xi32, #tpu.memory_space<hbm>>
          %dma_wait3A_161 = arith.constant 128 : i32
          %dma_wait3A_162 = tpu.memref_slice %arg6[%dma_wait3A_161] : memref<256xi32, #tpu.memory_space<vmem>> -> memref<128xi32, #tpu.memory_space<vmem>>
          %dma_wait3A_163 = tpu.memref_slice %arg2[%add3A_100] : memref<106496xi32, #tpu.memory_space<hbm>> -> memref<128xi32, #tpu.memory_space<hbm>>
          tpu.wait_dma2 semaphore(%run_scoped3A : memref<!tpu.dma_semaphore, #tpu.memory_space<semaphore_mem>>) src(%dma_wait3A_163 : memref<128xi32, #tpu.memory_space<hbm>>) dst(%dma_wait3A_162 : memref<128xi32, #tpu.memory_space<vmem>>)
          tpu.yield
        }) : () -> ()
        %scan3A_101 = arith.constant 0 : i32
        %scan3A_102 = arith.constant 0 : i32
        %scan3A_103 = arith.constant 16 : i32
        %scan3A_104 = arith.addi %scan3A_102, %scan3A_103 : i32
        %scan3A_105 = arith.constant 1 : i32
        %scan3A_106 = scf.for %scan3A_153 = %scan3A_102 to %scan3A_104 step %scan3A_105 iter_args(%scan3A_154 = %scan3A_101) -> (i32)  : i32 {
          %mul3A_155 = arith.constant 2 : i32
          %mul3A_156 = arith.muli %mul3A_155, %scan3A_71 : i32
          %jit3A = arith.constant 8 : i32
          %div3A = arith.divsi %scan3A_153, %jit3A : i32
          %sign3A = arith.constant 0 : i32
          %sign3A_157 = arith.cmpi sgt, %scan3A_153, %sign3A : i32
          %sign3A_158 = arith.extui %sign3A_157 : i1 to i32
          %sign3A_159 = arith.constant 0 : i32
          %sign3A_160 = arith.cmpi slt, %scan3A_153, %sign3A_159 : i32
          %sign3A_161 = arith.extui %sign3A_160 : i1 to i32
          %sign3A_162 = arith.subi %sign3A_158, %sign3A_161 : i32
          %sign3A_163 = arith.constant 0 : i32
          %sign3A_164 = arith.cmpi sgt, %jit3A, %sign3A_163 : i32
          %sign3A_165 = arith.extui %sign3A_164 : i1 to i32
          %sign3A_166 = arith.constant 0 : i32
          %sign3A_167 = arith.cmpi slt, %jit3A, %sign3A_166 : i32
          %sign3A_168 = arith.extui %sign3A_167 : i1 to i32
          %sign3A_169 = arith.subi %sign3A_165, %sign3A_168 : i32
          %ne3A = arith.cmpi ne, %sign3A_162, %sign3A_169 : i32
          %rem3A_170 = arith.remsi %scan3A_153, %jit3A : i32
          %ne3A_171 = arith.constant 0 : i32
          %ne3A_172 = arith.cmpi ne, %rem3A_170, %ne3A_171 : i32
          %and3A = arith.andi %ne3A, %ne3A_172 : i1
          %sub3A_173 = arith.constant 1 : i32
          %sub3A_174 = arith.subi %div3A, %sub3A_173 : i32
          %select_n3A = arith.select %and3A, %sub3A_174, %div3A : i32
          %add3A_175 = arith.addi %mul3A_156, %select_n3A : i32
          %mul3A_176 = arith.constant 16 : i32
          %mul3A_177 = arith.muli %scan3A_153, %mul3A_176 : i32
          %get3A = arith.index_cast %mul3A_177 : i32 to index
          %get3A_178 = tpu.vector_load %arg6[%get3A] {strides = array<i32>} : memref<256xi32, #tpu.memory_space<vmem>>, vector<16xi32>,
          %get3A_179 = vector.shape_cast %get3A_178 : vector<16xi32> to vector<16xi32>
          %mul3A_180 = arith.constant 40000 : i32
          %mul3A_181 = arith.muli %add3A_175, %mul3A_180 : i32
          %add3A_182 = vector.broadcast %mul3A_181 : i32 to vector<16xi32>
          %add3A_183 = arith.addi %get3A_179, %add3A_182 : vector<16xi32>
          %shift_right_logical3A = arith.constant 7 : i32
          %shift_right_logical3A_184 = vector.broadcast %shift_right_logical3A : i32 to vector<16xi32>
          %shift_right_logical3A_185 = arith.shrui %add3A_183, %shift_right_logical3A_184 : vector<16xi32>
          %and3A_186 = arith.constant 127 : i32
          %and3A_187 = vector.broadcast %and3A_186 : i32 to vector<16xi32>
          %and3A_188 = arith.andi %add3A_183, %and3A_187 : vector<16xi32>
          %mul3A_189 = arith.constant 1024 : i32
          %mul3A_190 = vector.broadcast %mul3A_189 : i32 to vector<16xi32>
          %mul3A_191 = arith.muli %shift_right_logical3A_185, %mul3A_190 : vector<16xi32>
          %add3A_192 = arith.addi %mul3A_191, %and3A_188 : vector<16xi32>
          %mul3A_193 = arith.constant 16 : i32
          %mul3A_194 = arith.muli %scan3A_153, %mul3A_193 : i32
          %swap3A = arith.index_cast %mul3A_194 : i32 to index
          %swap3A_195 = tpu.vector_load %arg6[%swap3A] {strides = array<i32>} : memref<256xi32, #tpu.memory_space<vmem>>, vector<16xi32>,
          %swap3A_196 = vector.shape_cast %swap3A_195 : vector<16xi32> to vector<16xi32>
          %swap3A_197 = vector.shape_cast %add3A_192 : vector<16xi32> to vector<16xi32>
          tpu.vector_store %arg6[%swap3A], %swap3A_197 {strides = array<i32>} : memref<256xi32, #tpu.memory_space<vmem>>, vector<16xi32>,
          %scan3A_198 = arith.constant 0 : i32
          scf.yield %scan3A_198 : i32
        }
        %scan3A_107 = arith.constant 16 : i32
        %scan3A_108 = arith.constant 0 : i32
        %scan3A_109 = arith.constant 0 : i32
        %scan3A_110 = arith.constant 64 : i32
        %scan3A_111 = arith.addi %scan3A_109, %scan3A_110 : i32
        %scan3A_112 = arith.constant 1 : i32
        %scan3A_113 = scf.for %scan3A_153 = %scan3A_109 to %scan3A_111 step %scan3A_112 iter_args(%scan3A_154 = %scan3A_108) -> (i32)  : i32 {
          %jit3A = arith.constant 8 : i32
          %div3A = arith.divsi %scan3A_153, %jit3A : i32
          %sign3A = arith.constant 0 : i32
          %sign3A_155 = arith.cmpi sgt, %scan3A_153, %sign3A : i32
          %sign3A_156 = arith.extui %sign3A_155 : i1 to i32
          %sign3A_157 = arith.constant 0 : i32
          %sign3A_158 = arith.cmpi slt, %scan3A_153, %sign3A_157 : i32
          %sign3A_159 = arith.extui %sign3A_158 : i1 to i32
          %sign3A_160 = arith.subi %sign3A_156, %sign3A_159 : i32
          %sign3A_161 = arith.constant 0 : i32
          %sign3A_162 = arith.cmpi sgt, %jit3A, %sign3A_161 : i32
          %sign3A_163 = arith.extui %sign3A_162 : i1 to i32
          %sign3A_164 = arith.constant 0 : i32
          %sign3A_165 = arith.cmpi slt, %jit3A, %sign3A_164 : i32
          %sign3A_166 = arith.extui %sign3A_165 : i1 to i32
          %sign3A_167 = arith.subi %sign3A_163, %sign3A_166 : i32
          %ne3A = arith.cmpi ne, %sign3A_160, %sign3A_167 : i32
          %rem3A_168 = arith.remsi %scan3A_153, %jit3A : i32
          %ne3A_169 = arith.constant 0 : i32
          %ne3A_170 = arith.cmpi ne, %rem3A_168, %ne3A_169 : i32
          %and3A = arith.andi %ne3A, %ne3A_170 : i1
          %sub3A_171 = arith.constant 1 : i32
          %sub3A_172 = arith.subi %div3A, %sub3A_171 : i32
          %select_n3A = arith.select %and3A, %sub3A_172, %div3A : i32
          %mul3A_173 = arith.constant 8320000 : i32
          %mul3A_174 = arith.muli %select_n3A, %mul3A_173 : i32
          %jit3A_175 = arith.constant 8 : i32
          %eq3A_176 = arith.constant 0 : i32
          %eq3A_177 = arith.cmpi eq, %jit3A_175, %eq3A_176 : i32
          %jit3A_178 = arith.constant 1 : i32
          %select_n3A_179 = arith.select %eq3A_177, %jit3A_178, %jit3A_175 : i32
          %rem3A_180 = arith.remsi %scan3A_153, %select_n3A_179 : i32
          %ne3A_181 = arith.constant 0 : i32
          %ne3A_182 = arith.cmpi ne, %rem3A_180, %ne3A_181 : i32
          %lt3A = arith.constant 0 : i32
          %lt3A_183 = arith.cmpi slt, %rem3A_180, %lt3A : i32
          %lt3A_184 = arith.constant 0 : i32
          %lt3A_185 = arith.cmpi slt, %select_n3A_179, %lt3A_184 : i32
          %ne3A_186 = arith.xori %lt3A_183, %lt3A_185 : i1
          %and3A_187 = arith.andi %ne3A_186, %ne3A_182 : i1
          %add3A_188 = arith.addi %rem3A_180, %select_n3A_179 : i32
          %select_n3A_189 = arith.select %and3A_187, %add3A_188, %rem3A_180 : i32
          %mul3A_190 = arith.constant 128 : i32
          %mul3A_191 = arith.muli %select_n3A_189, %mul3A_190 : i32
          %add3A_192 = arith.addi %mul3A_174, %mul3A_191 : i32
          %scan3A_193 = arith.constant 0 : i32
          %scan3A_194 = arith.constant 0 : i32
          %scan3A_195 = arith.constant 16 : i32
          %scan3A_196 = arith.addi %scan3A_194, %scan3A_195 : i32
          %scan3A_197 = arith.constant 1 : i32
          %scan3A_198 = scf.for %scan3A_201 = %scan3A_194 to %scan3A_196 step %scan3A_197 iter_args(%scan3A_202 = %scan3A_193) -> (i32)  : i32 {
            %mul3A_203 = arith.constant 16 : i32
            %mul3A_204 = arith.muli %scan3A_201, %mul3A_203 : i32
            %get3A = arith.index_cast %mul3A_204 : i32 to index
            %get3A_205 = tpu.vector_load %arg6[%get3A] {strides = array<i32>} : memref<256xi32, #tpu.memory_space<vmem>>, vector<16xi32>,
            %get3A_206 = vector.shape_cast %get3A_205 : vector<16xi32> to vector<16xi32>
            %add3A_207 = vector.broadcast %add3A_192 : i32 to vector<16xi32>
            %add3A_208 = arith.addi %get3A_206, %add3A_207 : vector<16xi32>
            %mul3A_209 = arith.constant 16 : i32
            %mul3A_210 = arith.muli %scan3A_201, %mul3A_209 : i32
            %swap3A = arith.index_cast %scan3A_153 : i32 to index
            %swap3A_211 = arith.index_cast %mul3A_210 : i32 to index
            %swap3A_212 = tpu.vector_load %arg7[%swap3A, %swap3A_211] {strides = array<i32>} : memref<64x256xi32, #tpu.memory_space<vmem>>, vector<1x16xi32>,
            %swap3A_213 = vector.shape_cast %swap3A_212 : vector<1x16xi32> to vector<16xi32>
            %swap3A_214 = vector.shape_cast %add3A_208 : vector<16xi32> to vector<1x16xi32>
            tpu.vector_store %arg7[%swap3A, %swap3A_211], %swap3A_214 {strides = array<i32>} : memref<64x256xi32, #tpu.memory_space<vmem>>, vector<1x16xi32>,
            %scan3A_215 = arith.constant 0 : i32
            scf.yield %scan3A_215 : i32
          }
          %scan3A_199 = arith.constant 16 : i32
          %scan3A_200 = arith.constant 0 : i32
          scf.yield %scan3A_200 : i32
        }
        %scan3A_114 = arith.constant 64 : i32
        %scan3A_115 = arith.constant 0 : i32
        %scan3A_116 = arith.constant 0 : i32
        %scan3A_117 = arith.constant 64 : i32
        %scan3A_118 = arith.addi %scan3A_116, %scan3A_117 : i32
        %scan3A_119 = arith.constant 1 : i32
        %scan3A_120 = scf.for %scan3A_153 = %scan3A_116 to %scan3A_118 step %scan3A_119 iter_args(%scan3A_154 = %scan3A_115) -> (i32)  : i32 {
          %jit3A = arith.constant 8 : i32
          %div3A = arith.divsi %scan3A_153, %jit3A : i32
          %sign3A = arith.constant 0 : i32
          %sign3A_155 = arith.cmpi sgt, %scan3A_153, %sign3A : i32
          %sign3A_156 = arith.extui %sign3A_155 : i1 to i32
          %sign3A_157 = arith.constant 0 : i32
          %sign3A_158 = arith.cmpi slt, %scan3A_153, %sign3A_157 : i32
          %sign3A_159 = arith.extui %sign3A_158 : i1 to i32
          %sign3A_160 = arith.subi %sign3A_156, %sign3A_159 : i32
          %sign3A_161 = arith.constant 0 : i32
          %sign3A_162 = arith.cmpi sgt, %jit3A, %sign3A_161 : i32
          %sign3A_163 = arith.extui %sign3A_162 : i1 to i32
          %sign3A_164 = arith.constant 0 : i32
          %sign3A_165 = arith.cmpi slt, %jit3A, %sign3A_164 : i32
          %sign3A_166 = arith.extui %sign3A_165 : i1 to i32
          %sign3A_167 = arith.subi %sign3A_163, %sign3A_166 : i32
          %ne3A = arith.cmpi ne, %sign3A_160, %sign3A_167 : i32
          %rem3A_168 = arith.remsi %scan3A_153, %jit3A : i32
          %ne3A_169 = arith.constant 0 : i32
          %ne3A_170 = arith.cmpi ne, %rem3A_168, %ne3A_169 : i32
          %and3A = arith.andi %ne3A, %ne3A_170 : i1
          %sub3A_171 = arith.constant 1 : i32
          %sub3A_172 = arith.subi %div3A, %sub3A_171 : i32
          %select_n3A = arith.select %and3A, %sub3A_172, %div3A : i32
          %jit3A_173 = arith.constant 8 : i32
          %eq3A_174 = arith.constant 0 : i32
          %eq3A_175 = arith.cmpi eq, %jit3A_173, %eq3A_174 : i32
          %jit3A_176 = arith.constant 1 : i32
          %select_n3A_177 = arith.select %eq3A_175, %jit3A_176, %jit3A_173 : i32
          %rem3A_178 = arith.remsi %scan3A_153, %select_n3A_177 : i32
          %ne3A_179 = arith.constant 0 : i32
          %ne3A_180 = arith.cmpi ne, %rem3A_178, %ne3A_179 : i32
          %lt3A = arith.constant 0 : i32
          %lt3A_181 = arith.cmpi slt, %rem3A_178, %lt3A : i32
          %lt3A_182 = arith.constant 0 : i32
          %lt3A_183 = arith.cmpi slt, %select_n3A_177, %lt3A_182 : i32
          %ne3A_184 = arith.xori %lt3A_181, %lt3A_183 : i1
          %and3A_185 = arith.andi %ne3A_184, %ne3A_180 : i1
          %add3A_186 = arith.addi %rem3A_178, %select_n3A_177 : i32
          %select_n3A_187 = arith.select %and3A_185, %add3A_186, %rem3A_178 : i32
          %dma_start3A = arith.constant 0 : i32
          %dma_start3A_188 = tpu.memref_slice %arg9[%select_n3A, %select_n3A_187, %dma_start3A] : memref<8x8x256xf32, #tpu.memory_space<vmem>> -> memref<1x1x256xf32, #tpu.memory_space<vmem>>
          %dma_start3A_189 = tpu.memref_squeeze %dma_start3A_188 : memref<1x1x256xf32, #tpu.memory_space<vmem>> -> memref<256xf32, #tpu.memory_space<vmem>>
          %dma_start3A_190 = arith.constant 0 : i32
          %dma_start3A_191 = tpu.memref_slice %arg7[%scan3A_153, %dma_start3A_190] : memref<64x256xi32, #tpu.memory_space<vmem>> -> memref<1x256xi32, #tpu.memory_space<vmem>>
          %dma_start3A_192 = tpu.memref_squeeze %dma_start3A_191 : memref<1x256xi32, #tpu.memory_space<vmem>> -> memref<256xi32, #tpu.memory_space<vmem>>
          %dma_start3A_193 = arith.constant 0 : i32
          %dma_start3A_194 = tpu.memref_slice %arg3[%dma_start3A_193] : memref<66560000xf32, #tpu.memory_space<hbm>> -> memref<66560000xf32, #tpu.memory_space<hbm>>
          tpu.enqueue_indirect_dma source(%dma_start3A_194 : memref<66560000xf32, #tpu.memory_space<hbm>>) target(%dma_start3A_189 : memref<256xf32, #tpu.memory_space<vmem>>) offsets(%dma_start3A_192 : memref<256xi32, #tpu.memory_space<vmem>>) semaphore(%arg11 : memref<!tpu.dma_semaphore, #tpu.memory_space<semaphore_mem>>)
          %scan3A_195 = arith.constant 0 : i32
          scf.yield %scan3A_195 : i32
        }
        %scan3A_121 = arith.constant 64 : i32
        %dma_wait3A_122 = arith.constant 0 : i32
        %dma_wait3A_123 = arith.constant 0 : i32
        %dma_wait3A_124 = arith.constant 0 : i32
        %dma_wait3A_125 = tpu.memref_slice %arg4[%dma_wait3A_122, %dma_wait3A_123, %dma_wait3A_124] : memref<8x8x256xf32, #tpu.memory_space<hbm>> -> memref<8x8x256xf32, #tpu.memory_space<hbm>>
        %dma_wait3A_126 = arith.constant 0 : i32
        %dma_wait3A_127 = arith.constant 0 : i32
        %dma_wait3A_128 = arith.constant 0 : i32
        %dma_wait3A_129 = tpu.memref_slice %arg4[%dma_wait3A_126, %dma_wait3A_127, %dma_wait3A_128] : memref<8x8x256xf32, #tpu.memory_space<hbm>> -> memref<8x8x256xf32, #tpu.memory_space<hbm>>
        tpu.wait_dma2 semaphore(%arg12 : memref<!tpu.dma_semaphore, #tpu.memory_space<semaphore_mem>>) src(%dma_wait3A_129 : memref<8x8x256xf32, #tpu.memory_space<hbm>>) dst(%arg10 : memref<8x8x256xf32, #tpu.memory_space<vmem>>)
        %sub3A = arith.constant 1 : i32
        %sub3A_130 = arith.subi %scan3A_71, %sub3A : i32
        %mul3A_131 = arith.constant 2 : i32
        %mul3A_132 = arith.muli %mul3A_131, %sub3A_130 : i32
        %add3A_133 = arith.constant 0 : i32
        %add3A_134 = arith.addi %mul3A_132, %add3A_133 : i32
        %scan3A_135 = arith.constant 0 : i32
        %scan3A_136 = arith.constant 0 : i32
        %scan3A_137 = arith.constant 8 : i32
        %scan3A_138 = arith.addi %scan3A_136, %scan3A_137 : i32
        %scan3A_139 = arith.constant 1 : i32
        %scan3A_140 = scf.for %scan3A_153 = %scan3A_136 to %scan3A_138 step %scan3A_139 iter_args(%scan3A_154 = %scan3A_135) -> (i32)  : i32 {
          %dma_start3A = arith.constant 0 : i32
          %dma_start3A_155 = arith.constant 0 : i32
          %dma_start3A_156 = tpu.memref_slice %arg10[%scan3A_153, %dma_start3A, %dma_start3A_155] : memref<8x8x256xf32, #tpu.memory_space<vmem>> -> memref<1x8x128xf32, #tpu.memory_space<vmem>>
          %dma_start3A_157 = tpu.memref_squeeze %dma_start3A_156 : memref<1x8x128xf32, #tpu.memory_space<vmem>> -> memref<8x128xf32, #tpu.memory_space<vmem>>
          %dma_start3A_158 = arith.constant 0 : i32
          %dma_start3A_159 = arith.constant 0 : i32
          %dma_start3A_160 = tpu.memref_slice %arg5[%add3A_134, %scan3A_153, %add3A, %dma_start3A_158, %dma_start3A_159] : memref<26x8x32x8x128xf32, #tpu.memory_space<hbm>> -> memref<1x1x1x8x128xf32, #tpu.memory_space<hbm>>
          %dma_start3A_161 = tpu.memref_squeeze %dma_start3A_160 : memref<1x1x1x8x128xf32, #tpu.memory_space<hbm>> -> memref<8x128xf32, #tpu.memory_space<hbm>>
          %dma_start3A_162 = arith.constant 0 : i32
          %dma_start3A_163 = arith.constant 0 : i32
          %dma_start3A_164 = tpu.memref_slice %arg5[%add3A_134, %scan3A_153, %add3A, %dma_start3A_162, %dma_start3A_163] : memref<26x8x32x8x128xf32, #tpu.memory_space<hbm>> -> memref<1x1x1x8x128xf32, #tpu.memory_space<hbm>>
          %dma_start3A_165 = tpu.memref_squeeze %dma_start3A_164 : memref<1x1x1x8x128xf32, #tpu.memory_space<hbm>> -> memref<8x128xf32, #tpu.memory_space<hbm>>
          %dma_start3A_166 = arith.constant 0 : i32
          %dma_start3A_167 = arith.constant 0 : i32
          %dma_start3A_168 = tpu.memref_slice %arg10[%scan3A_153, %dma_start3A_166, %dma_start3A_167] : memref<8x8x256xf32, #tpu.memory_space<vmem>> -> memref<1x8x128xf32, #tpu.memory_space<vmem>>
          %dma_start3A_169 = tpu.memref_squeeze %dma_start3A_168 : memref<1x8x128xf32, #tpu.memory_space<vmem>> -> memref<8x128xf32, #tpu.memory_space<vmem>>
          tpu.enqueue_dma source(%dma_start3A_169 : memref<8x128xf32, #tpu.memory_space<vmem>>) target(%dma_start3A_165 : memref<8x128xf32, #tpu.memory_space<hbm>>) target_semaphore(%arg14 : memref<!tpu.dma_semaphore, #tpu.memory_space<semaphore_mem>>)
          %scan3A_170 = arith.constant 0 : i32
          scf.yield %scan3A_170 : i32
        }
        %scan3A_141 = arith.constant 8 : i32
        %mul3A_142 = arith.constant 2 : i32
        %mul3A_143 = arith.muli %mul3A_142, %sub3A_130 : i32
        %add3A_144 = arith.constant 1 : i32
        %add3A_145 = arith.addi %mul3A_143, %add3A_144 : i32
        %scan3A_146 = arith.constant 0 : i32
        %scan3A_147 = arith.constant 0 : i32
        %scan3A_148 = arith.constant 8 : i32
        %scan3A_149 = arith.addi %scan3A_147, %scan3A_148 : i32
        %scan3A_150 = arith.constant 1 : i32
        %scan3A_151 = scf.for %scan3A_153 = %scan3A_147 to %scan3A_149 step %scan3A_150 iter_args(%scan3A_154 = %scan3A_146) -> (i32)  : i32 {
          %dma_start3A = arith.constant 0 : i32
          %dma_start3A_155 = arith.constant 128 : i32
          %dma_start3A_156 = tpu.memref_slice %arg10[%scan3A_153, %dma_start3A, %dma_start3A_155] : memref<8x8x256xf32, #tpu.memory_space<vmem>> -> memref<1x8x128xf32, #tpu.memory_space<vmem>>
          %dma_start3A_157 = tpu.memref_squeeze %dma_start3A_156 : memref<1x8x128xf32, #tpu.memory_space<vmem>> -> memref<8x128xf32, #tpu.memory_space<vmem>>
          %dma_start3A_158 = arith.constant 0 : i32
          %dma_start3A_159 = arith.constant 0 : i32
          %dma_start3A_160 = tpu.memref_slice %arg5[%add3A_145, %scan3A_153, %add3A, %dma_start3A_158, %dma_start3A_159] : memref<26x8x32x8x128xf32, #tpu.memory_space<hbm>> -> memref<1x1x1x8x128xf32, #tpu.memory_space<hbm>>
          %dma_start3A_161 = tpu.memref_squeeze %dma_start3A_160 : memref<1x1x1x8x128xf32, #tpu.memory_space<hbm>> -> memref<8x128xf32, #tpu.memory_space<hbm>>
          %dma_start3A_162 = arith.constant 0 : i32
          %dma_start3A_163 = arith.constant 0 : i32
          %dma_start3A_164 = tpu.memref_slice %arg5[%add3A_145, %scan3A_153, %add3A, %dma_start3A_162, %dma_start3A_163] : memref<26x8x32x8x128xf32, #tpu.memory_space<hbm>> -> memref<1x1x1x8x128xf32, #tpu.memory_space<hbm>>
          %dma_start3A_165 = tpu.memref_squeeze %dma_start3A_164 : memref<1x1x1x8x128xf32, #tpu.memory_space<hbm>> -> memref<8x128xf32, #tpu.memory_space<hbm>>
          %dma_start3A_166 = arith.constant 0 : i32
          %dma_start3A_167 = arith.constant 128 : i32
          %dma_start3A_168 = tpu.memref_slice %arg10[%scan3A_153, %dma_start3A_166, %dma_start3A_167] : memref<8x8x256xf32, #tpu.memory_space<vmem>> -> memref<1x8x128xf32, #tpu.memory_space<vmem>>
          %dma_start3A_169 = tpu.memref_squeeze %dma_start3A_168 : memref<1x8x128xf32, #tpu.memory_space<vmem>> -> memref<8x128xf32, #tpu.memory_space<vmem>>
          tpu.enqueue_dma source(%dma_start3A_169 : memref<8x128xf32, #tpu.memory_space<vmem>>) target(%dma_start3A_165 : memref<8x128xf32, #tpu.memory_space<hbm>>) target_semaphore(%arg14 : memref<!tpu.dma_semaphore, #tpu.memory_space<semaphore_mem>>)
          %scan3A_170 = arith.constant 0 : i32
          scf.yield %scan3A_170 : i32
        }
        %scan3A_152 = arith.constant 8 : i32
      } else {
      }
      %scan3A_80 = arith.constant 0 : i32
      scf.yield %scan3A_80 : i32
    }
    %scan3A_33 = arith.constant 12 : i32
    %dma_wait3A = arith.constant 0 : i32
    %dma_wait3A_34 = arith.constant 0 : i32
    %dma_wait3A_35 = arith.constant 0 : i32
    %dma_wait3A_36 = tpu.memref_slice %arg4[%dma_wait3A, %dma_wait3A_34, %dma_wait3A_35] : memref<8x8x256xf32, #tpu.memory_space<hbm>> -> memref<8x8x256xf32, #tpu.memory_space<hbm>>
    %dma_wait3A_37 = arith.constant 0 : i32
    %dma_wait3A_38 = arith.constant 0 : i32
    %dma_wait3A_39 = arith.constant 0 : i32
    %dma_wait3A_40 = tpu.memref_slice %arg4[%dma_wait3A_37, %dma_wait3A_38, %dma_wait3A_39] : memref<8x8x256xf32, #tpu.memory_space<hbm>> -> memref<8x8x256xf32, #tpu.memory_space<hbm>>
    tpu.wait_dma2 semaphore(%arg11 : memref<!tpu.dma_semaphore, #tpu.memory_space<semaphore_mem>>) src(%dma_wait3A_40 : memref<8x8x256xf32, #tpu.memory_space<hbm>>) dst(%arg9 : memref<8x8x256xf32, #tpu.memory_space<vmem>>)
    %scan3A_41 = arith.constant 0 : i32
    %scan3A_42 = arith.constant 0 : i32
    %scan3A_43 = arith.constant 8 : i32
    %scan3A_44 = arith.addi %scan3A_42, %scan3A_43 : i32
    %scan3A_45 = arith.constant 1 : i32
    %scan3A_46 = scf.for %scan3A_71 = %scan3A_42 to %scan3A_44 step %scan3A_45 iter_args(%scan3A_72 = %scan3A_41) -> (i32)  : i32 {
      %dma_start3A = arith.constant 24 : i32
      %dma_start3A_73 = arith.constant 0 : i32
      %dma_start3A_74 = arith.constant 0 : i32
      %dma_start3A_75 = tpu.memref_slice %arg9[%scan3A_71, %dma_start3A_73, %dma_start3A_74] : memref<8x8x256xf32, #tpu.memory_space<vmem>> -> memref<1x8x128xf32, #tpu.memory_space<vmem>>
      %dma_start3A_76 = tpu.memref_squeeze %dma_start3A_75 : memref<1x8x128xf32, #tpu.memory_space<vmem>> -> memref<8x128xf32, #tpu.memory_space<vmem>>
      %dma_start3A_77 = arith.constant 0 : i32
      %dma_start3A_78 = arith.constant 0 : i32
      %dma_start3A_79 = tpu.memref_slice %arg5[%dma_start3A, %scan3A_71, %add3A, %dma_start3A_77, %dma_start3A_78] : memref<26x8x32x8x128xf32, #tpu.memory_space<hbm>> -> memref<1x1x1x8x128xf32, #tpu.memory_space<hbm>>
      %dma_start3A_80 = tpu.memref_squeeze %dma_start3A_79 : memref<1x1x1x8x128xf32, #tpu.memory_space<hbm>> -> memref<8x128xf32, #tpu.memory_space<hbm>>
      %dma_start3A_81 = arith.constant 0 : i32
      %dma_start3A_82 = arith.constant 0 : i32
      %dma_start3A_83 = tpu.memref_slice %arg5[%dma_start3A, %scan3A_71, %add3A, %dma_start3A_81, %dma_start3A_82] : memref<26x8x32x8x128xf32, #tpu.memory_space<hbm>> -> memref<1x1x1x8x128xf32, #tpu.memory_space<hbm>>
      %dma_start3A_84 = tpu.memref_squeeze %dma_start3A_83 : memref<1x1x1x8x128xf32, #tpu.memory_space<hbm>> -> memref<8x128xf32, #tpu.memory_space<hbm>>
      %dma_start3A_85 = arith.constant 0 : i32
      %dma_start3A_86 = arith.constant 0 : i32
      %dma_start3A_87 = tpu.memref_slice %arg9[%scan3A_71, %dma_start3A_85, %dma_start3A_86] : memref<8x8x256xf32, #tpu.memory_space<vmem>> -> memref<1x8x128xf32, #tpu.memory_space<vmem>>
      %dma_start3A_88 = tpu.memref_squeeze %dma_start3A_87 : memref<1x8x128xf32, #tpu.memory_space<vmem>> -> memref<8x128xf32, #tpu.memory_space<vmem>>
      tpu.enqueue_dma source(%dma_start3A_88 : memref<8x128xf32, #tpu.memory_space<vmem>>) target(%dma_start3A_84 : memref<8x128xf32, #tpu.memory_space<hbm>>) target_semaphore(%arg13 : memref<!tpu.dma_semaphore, #tpu.memory_space<semaphore_mem>>)
      %scan3A_89 = arith.constant 0 : i32
      scf.yield %scan3A_89 : i32
    }
    %scan3A_47 = arith.constant 8 : i32
    %scan3A_48 = arith.constant 0 : i32
    %scan3A_49 = arith.constant 0 : i32
    %scan3A_50 = arith.constant 8 : i32
    %scan3A_51 = arith.addi %scan3A_49, %scan3A_50 : i32
    %scan3A_52 = arith.constant 1 : i32
    %scan3A_53 = scf.for %scan3A_71 = %scan3A_49 to %scan3A_51 step %scan3A_52 iter_args(%scan3A_72 = %scan3A_48) -> (i32)  : i32 {
      %dma_start3A = arith.constant 25 : i32
      %dma_start3A_73 = arith.constant 0 : i32
      %dma_start3A_74 = arith.constant 128 : i32
      %dma_start3A_75 = tpu.memref_slice %arg9[%scan3A_71, %dma_start3A_73, %dma_start3A_74] : memref<8x8x256xf32, #tpu.memory_space<vmem>> -> memref<1x8x128xf32, #tpu.memory_space<vmem>>
      %dma_start3A_76 = tpu.memref_squeeze %dma_start3A_75 : memref<1x8x128xf32, #tpu.memory_space<vmem>> -> memref<8x128xf32, #tpu.memory_space<vmem>>
      %dma_start3A_77 = arith.constant 0 : i32
      %dma_start3A_78 = arith.constant 0 : i32
      %dma_start3A_79 = tpu.memref_slice %arg5[%dma_start3A, %scan3A_71, %add3A, %dma_start3A_77, %dma_start3A_78] : memref<26x8x32x8x128xf32, #tpu.memory_space<hbm>> -> memref<1x1x1x8x128xf32, #tpu.memory_space<hbm>>
      %dma_start3A_80 = tpu.memref_squeeze %dma_start3A_79 : memref<1x1x1x8x128xf32, #tpu.memory_space<hbm>> -> memref<8x128xf32, #tpu.memory_space<hbm>>
      %dma_start3A_81 = arith.constant 0 : i32
      %dma_start3A_82 = arith.constant 0 : i32
      %dma_start3A_83 = tpu.memref_slice %arg5[%dma_start3A, %scan3A_71, %add3A, %dma_start3A_81, %dma_start3A_82] : memref<26x8x32x8x128xf32, #tpu.memory_space<hbm>> -> memref<1x1x1x8x128xf32, #tpu.memory_space<hbm>>
      %dma_start3A_84 = tpu.memref_squeeze %dma_start3A_83 : memref<1x1x1x8x128xf32, #tpu.memory_space<hbm>> -> memref<8x128xf32, #tpu.memory_space<hbm>>
      %dma_start3A_85 = arith.constant 0 : i32
      %dma_start3A_86 = arith.constant 128 : i32
      %dma_start3A_87 = tpu.memref_slice %arg9[%scan3A_71, %dma_start3A_85, %dma_start3A_86] : memref<8x8x256xf32, #tpu.memory_space<vmem>> -> memref<1x8x128xf32, #tpu.memory_space<vmem>>
      %dma_start3A_88 = tpu.memref_squeeze %dma_start3A_87 : memref<1x8x128xf32, #tpu.memory_space<vmem>> -> memref<8x128xf32, #tpu.memory_space<vmem>>
      tpu.enqueue_dma source(%dma_start3A_88 : memref<8x128xf32, #tpu.memory_space<vmem>>) target(%dma_start3A_84 : memref<8x128xf32, #tpu.memory_space<hbm>>) target_semaphore(%arg13 : memref<!tpu.dma_semaphore, #tpu.memory_space<semaphore_mem>>)
      %scan3A_89 = arith.constant 0 : i32
      scf.yield %scan3A_89 : i32
    }
    %scan3A_54 = arith.constant 8 : i32
    %dma_wait3A_55 = arith.constant 0 : i32
    %dma_wait3A_56 = arith.constant 0 : i32
    %dma_wait3A_57 = arith.constant 0 : i32
    %dma_wait3A_58 = tpu.memref_slice %arg4[%dma_wait3A_55, %dma_wait3A_56, %dma_wait3A_57] : memref<8x8x256xf32, #tpu.memory_space<hbm>> -> memref<8x8x256xf32, #tpu.memory_space<hbm>>
    %dma_wait3A_59 = arith.constant 0 : i32
    %dma_wait3A_60 = arith.constant 0 : i32
    %dma_wait3A_61 = arith.constant 0 : i32
    %dma_wait3A_62 = tpu.memref_slice %arg4[%dma_wait3A_59, %dma_wait3A_60, %dma_wait3A_61] : memref<8x8x256xf32, #tpu.memory_space<hbm>> -> memref<8x8x256xf32, #tpu.memory_space<hbm>>
    tpu.wait_dma2 semaphore(%arg13 : memref<!tpu.dma_semaphore, #tpu.memory_space<semaphore_mem>>) src(%dma_wait3A_62 : memref<8x8x256xf32, #tpu.memory_space<hbm>>) dst(%arg9 : memref<8x8x256xf32, #tpu.memory_space<vmem>>)
    %dma_wait3A_63 = arith.constant 0 : i32
    %dma_wait3A_64 = arith.constant 0 : i32
    %dma_wait3A_65 = arith.constant 0 : i32
    %dma_wait3A_66 = tpu.memref_slice %arg4[%dma_wait3A_63, %dma_wait3A_64, %dma_wait3A_65] : memref<8x8x256xf32, #tpu.memory_space<hbm>> -> memref<8x8x256xf32, #tpu.memory_space<hbm>>
    %dma_wait3A_67 = arith.constant 0 : i32
    %dma_wait3A_68 = arith.constant 0 : i32
    %dma_wait3A_69 = arith.constant 0 : i32
    %dma_wait3A_70 = tpu.memref_slice %arg4[%dma_wait3A_67, %dma_wait3A_68, %dma_wait3A_69] : memref<8x8x256xf32, #tpu.memory_space<hbm>> -> memref<8x8x256xf32, #tpu.memory_space<hbm>>
    tpu.wait_dma2 semaphore(%arg14 : memref<!tpu.dma_semaphore, #tpu.memory_space<semaphore_mem>>) src(%dma_wait3A_70 : memref<8x8x256xf32, #tpu.memory_space<hbm>>) dst(%arg10 : memref<8x8x256xf32, #tpu.memory_space<vmem>>)
    return
  }
}

</mosaic_0001>

<sc_bundles>
// kernel: kernel.3.cloned.1.call-start
scs
__scs_entry_jumppad:
0x0: {  	(pc) =	sbr.rel $0x88, $3  }
0x1: {  	(tag) =	ssettag $0x0;
	lr =	simm.s32 $0x1  }
0x2: {  	[smem:$0x3F9F] =	sst lr;
	_ =	strace $0xD0000000  }
0x3: {  	_ = 	snop  }
0x4: {  	_ = 	snop  }
0x5: {  	_ = 	snop  }
0x6: {  	_ = 	snop  }
0x7: {  	_ = 	snop  }
__scs_overlays_trampoline_lowered:
0x8: {  	[smem:$0x3FAE] =	sst s0  }
0x9: {  	[smem:$0x3FAF] =	sst s1  }
0xa: {  	[smem:$0x3FB0] =	sst s2  }
0xb: {  	[smem:$0x3FB1] =	sst s3  }
0xc: {  	[smem:$0x3FB2] =	sst s4  }
0xd: {  	[smem:$0x3FB3] =	sst s5  }
0xe: {  	[smem:$0x3FB4] =	sst s6  }
0xf: {  	[smem:$0x3FB5] =	sst s7  }
0x10: {  	[smem:$0x3FB6] =	sst s8  }
0x11: {  	[smem:$0x3FB7] =	sst s9;
	s0 =	simm.s32 @!p0 $0x0  }
0x12: {  	s1 =	sld [smem:$0x3F9D];
	s0 =	simm.s32 @p0 $0x1  }
0x13: {  	[smem:$0x3FB8] =	sst s0;
	s0 =	simm.s32 @!p1 $0x0  }
0x14: {  	s2 =	sld [smem:$0x3F9C];
	s0 =	simm.s32 @p1 $0x1  }
0x15: {  	[smem:$0x3FB9] =	sst s0;
	s0 =	simm.s32 @!p2 $0x0  }
0x16: {  	s3 =	sld [smem:$0x3FDB];
	s0 =	simm.s32 @p2 $0x1  }
0x17: {  	s4 =	simm.s32 $0x1BF5;
	[smem:$0x3FBB] =	sst s0  }
0x18: {  	s0 =	sld [smem:$0x3F9E];
	_ =	swait.ge [sflag:s4], $0x0  }
0x19: {  	s7 =	sld [smem:$0x3F9F]  }
0x1a: {  	s8 =	sadd.s32 $0xFFFFE003, lr  }
0x1b: {  	s9 =	sadd.s32 $0xFFFFFEF7, lr;
	s5 =	simm.s32 $0xFFFFFFFF;
	p2 =	slt.u32 s8, $0xFFFFF086  }
0x1c: {  	p1 =	slt.u32 s9, $0xF7A;
	s5 =	simm.s32 @!p2 $0x0  }
0x1d: {  	s5 =	simm.s32 @p1 $0x1;
	p0 =	seq.s32 s7, s2  }
0x1e: {  	s7 =	smul.u32 @!p0 $0xF7A, s2;
	p2 =	seq.s32 @!p0 s5, $0x0  }
0x1f: {  	s9 =	smul.u32 $0xF7A, s1;
	s8 =	simm.s32 @!p0 $0x1BF5;
	p2 =	por !p2, p0  }
0x20: {  	[sflag:s8] =	ssyncset.s32 @!p0 $0xFFFFF086;
	s6 =	sadd.s32 @!p0 s3, s7;
	s7 =	simm.s32 @!p0 $0x108  }
0x21: {  	s3 =	sadd.s32 s3, s9;
	s6 =	sadd.s32 @!p0 $0x88, s6;
	s7 =	simm.s32 @p2 $0x1082  }
0x22: {  	[simem:s7], [sflag:s8] =	dma.local @!p0 [hbm:s6], $0xF7A  }
0x23: {  	s9 =	sor.u32 $0xD0000000, s2;
	s6 =	simm.s32 $0x108;
	_ =	swait.ge @!p0 [sflag:s8], $0x0  }
0x24: {  	s3 =	sadd.s32 $0x88, s3;
	s6 =	simm.s32 @!p1 $0x1082;
	[sflag:s4] =	ssyncset.s32 $0xFFFFF086  }
0x25: {  	[simem:s6], [sflag:s4] =	dma.local [hbm:s3], $0xF7A  }
0x26: {  	[smem:$0x3F9F] =	sst s1;
	(tag) =	ssettag s2;
	_ =	strace s9  }
0x27: {  	s1 =	sld [smem:$0x3FAF]  }
0x28: {  	s2 =	sld [smem:$0x3FB0]  }
0x29: {  	s4 =	sld [smem:$0x3FB2]  }
0x2a: {  	p0 =	seq.s32 s5, $0x0;
	s5 =	sld [smem:$0x3FB3]  }
0x2b: {  	s6 =	sld [smem:$0x3FB4]  }
0x2c: {  	s7 =	sld [smem:$0x3FB5]  }
0x2d: {  	s3 =	simm.s32 $0x108;
	s8 =	sld [smem:$0x3FB6]  }
0x2e: {  	s3 =	simm.s32 @!p0 $0x1082;
	s9 =	sld [smem:$0x3FB7]  }
0x2f: {  	lr =	sadd.s32 s0, s3;
	s0 =	sld [smem:$0x3FAE]  }
0x30: {  	s3 =	sld [smem:$0x3FB1]  }
0x31: {  	[smem:$0x3FBA] =	sst s10  }
0x32: {  	s10 =	sld [smem:$0x3FB8];
	_ =	sdelay $0x3  }
0x33: {  	p0 =	seq.s32 s10, $0x1;
	s10 =	sld [smem:$0x3FBA];
	_ =	sdelay $0x3  }
0x34: {  	[smem:$0x3FBA] =	sst s10  }
0x35: {  	s10 =	sld [smem:$0x3FB9];
	_ =	sdelay $0x3  }
0x36: {  	p1 =	seq.s32 s10, $0x1;
	s10 =	sld [smem:$0x3FBA];
	_ =	sdelay $0x3  }
0x37: {  	[smem:$0x3FBA] =	sst s10  }
0x38: {  	s10 =	sld [smem:$0x3FBB]  }
0x39: {  	_ = 	snop;
	(pc) =	sbr.ind lr, $3  }
0x3a: {  	_ = 	snop  }
0x3b: {  	_ = 	snop  }
0x3c: {  	p2 =	seq.s32 s10, $0x1;
	s10 =	sld [smem:$0x3FBA]  }
0x3d: {  	_ =	shalt  }
0x3e: {  	_ =	shalt  }
0x3f: {  	_ =	shalt  }
0x40: {  	_ =	shalt  }
0x41: {  	_ =	shalt  }
0x42: {  	_ =	shalt  }
0x43: {  	_ =	shalt  }
0x44: {  	_ =	shalt  }
0x45: {  	_ =	shalt  }
0x46: {  	_ =	shalt  }
0x47: {  	_ =	shalt  }
0x48: {  	_ =	shalt  }
0x49: {  	_ =	shalt  }
0x4a: {  	_ =	shalt  }
0x4b: {  	_ =	shalt  }
0x4c: {  	_ =	shalt  }
0x4d: {  	_ =	shalt  }
0x4e: {  	_ =	shalt  }
0x4f: {  	_ =	shalt  }
0x50: {  	_ =	shalt  }
0x51: {  	_ =	shalt  }
0x52: {  	_ =	shalt  }
0x53: {  	_ =	shalt  }
0x54: {  	_ =	shalt  }
0x55: {  	_ =	shalt  }
0x56: {  	_ =	shalt  }
0x57: {  	_ =	shalt  }
0x58: {  	_ =	shalt  }
0x59: {  	_ =	shalt  }
0x5a: {  	_ =	shalt  }
0x5b: {  	_ =	shalt  }
0x5c: {  	_ =	shalt  }
0x5d: {  	_ =	shalt  }
0x5e: {  	_ =	shalt  }
0x5f: {  	_ =	shalt  }
0x60: {  	_ =	shalt  }
0x61: {  	_ =	shalt  }
0x62: {  	_ =	shalt  }
0x63: {  	_ =	shalt  }
0x64: {  	_ =	shalt  }
0x65: {  	_ =	shalt  }
0x66: {  	_ =	shalt  }
0x67: {  	_ =	shalt  }
0x68: {  	_ =	shalt  }
0x69: {  	_ =	shalt  }
0x6a: {  	_ =	shalt  }
0x6b: {  	_ =	shalt  }
0x6c: {  	_ =	shalt  }
0x6d: {  	_ =	shalt  }
0x6e: {  	_ =	shalt  }
0x6f: {  	_ =	shalt  }
0x70: {  	_ =	shalt  }
0x71: {  	_ =	shalt  }
0x72: {  	_ =	shalt  }
0x73: {  	_ =	shalt  }
0x74: {  	_ =	shalt  }
0x75: {  	_ =	shalt  }
0x76: {  	_ =	shalt  }
0x77: {  	_ =	shalt  }
0x78: {  	_ =	shalt  }
0x79: {  	_ =	shalt  }
0x7a: {  	_ =	shalt  }
0x7b: {  	_ =	shalt  }
0x7c: {  	_ =	shalt  }
0x7d: {  	_ =	shalt  }
0x7e: {  	_ =	shalt  }
0x7f: {  	_ =	shalt  }
0x80: {  	_ =	shalt  }
0x81: {  	_ =	shalt  }
0x82: {  	_ =	shalt  }
0x83: {  	_ =	shalt  }
0x84: {  	_ =	shalt  }
0x85: {  	_ =	shalt  }
0x86: {  	_ =	shalt  }
0x87: {  	_ =	shalt  }
.Lfunc_end0:
.L_simem_size_0:
called_computation_lowered:
.L_overlay_start_0:
0x88: {  	s2 =	sld [smem:$0x3FD9]  }
0x89: {  	s3 =	sld [smem:$0x3FFE];
	_ =	sdelay $0x1  }
0x8a: {  	s1 =	srdreg.scid  }
0x8b: {  	s0 =	sand.u32 $0x1, s1  }
0x8c: {  	s17 =	sshll.u32 s0, $0xA;
	s2 =	sadd.s32 s3, s2  }
0x8d: {  	s2 =	sadd.s32 s2, s17  }
0x8e: {  	[smem:$0x3FC6] =	sst s2  }
0x8f: {  	_ = 	snop  }
0x90: {  	s2 =	sld [smem:$0x3FC8]  }
0x91: {  	s18 =	sld [smem:$0x3FD0];
	(tm) =	ssettm $0x1  }
0x92: {  	s4 =	sld [smem:$0x3FFB];
	_ =	sdelay $0x3  }
0x93: {  	_ =	strace s4  }
0x94: {  	s4 =	sld [smem:$0x3FFC];
	_ =	sdelay $0x3  }
0x95: {  	_ =	strace s4  }
0x96: {  	s4 =	sld [smem:$0x3FFD];
	_ =	sdelay $0x3  }
0x97: {  	_ =	strace s4  }
0x98: {  	_ =	strace $0x8FFFFFFF  }
0x99: {  	s19 =	sld [smem:$0x3FDB];
	_ =	sdelay $0x1  }
0x9a: {  	s5 =	simm.s32 $_scs_section_size  }
0x9b: {  	s6 =	simm.s32 $_size__tile_overlayer_lowered;
	s7 =	simm.s32 $_tile_overlayer_lowered  }
0x9c: {  	s22 =	simm.s32 $0x1BFF;
	s21 =	sshll.u32 s7, $0x1;
	s4 =	sadd.s32 s5, s19  }
0x9d: {  	s8 =	simm.s32 $0x0;
	s20 =	sshll.u32 s6, $0x1;
	s6 =	sadd.s32 s21, s4  }
0x9e: {  	[timem:s8], [sflag:s22] =	dma.local [hbm:s6], s20  }
0x9f: {  	_ =	swait.ge [sflag:s22], s20  }
0xa0: {  	s5 =	ssub.s32 $0x0, s20;
	[sflag:s22] =	ssyncset.done $0x0  }
0xa1: {  	[sflag:s22] =	ssyncadd.s32 s5;
	_ =	sdelay $0x1  }
0xa2: {  	s23 =	simm.s32 $0x1B8B  }
0xa3: {  	_ =	swait.ge [sflag:s23], $0x1  }
0xa4: {  	[sflag:s23] =	ssyncset.done $0x0  }
0xa5: {  	s25 =	simm.s32 $0x1B8E;
	s24 =	sld [smem:$0x3FFE];
	[sflag:s23] =	ssyncadd.s32 $0xFFFFFFFF  }
0xa6: {  	s26 =	simm.s32 $execute0_lowered;
	[smem:$0x3FD2] =	sst s25  }
0xa7: {  	s6 =	sshll.u32 s26, $0x1;
	_ =	strace $0x80000046;
	[dreg:$0x1] =	wrdreg $0xFFFFFFFF  }
0xa8: {  	s28 =	simm.s32 $_size_execute0_lowered;
	s4 =	sadd.s32 s4, s6;
	[dreg:$0x0] =	wrdreg $0x0  }
0xa9: {  	s6 =	sshll.u32 s28, $0x1;
	[dreg:$0x2] =	wrdreg s4  }
0xaa: {  	[dreg:$0x3] =	wrdreg s6  }
0xab: {  	[dreg:$0x4] =	wrdreg $0xC0  }
0xac: {  	_ =	task [dreg:s8], $0x5FFFF  }
0xad: {  	[dreg:$0x1] =	wrdreg $0xFFFFFFFF  }
0xae: {  	[dreg:$0x0] =	wrdreg $0x60  }
0xaf: {  	[dreg:$0x2] =	wrdreg s24  }
0xb0: {  	[dreg:$0x3] =	wrdreg s2  }
0xb1: {  	[dreg:$0x4] =	wrdreg s18  }
0xb2: {  	[dreg:$0x5] =	wrdreg $0x9  }
0xb3: {  	_ =	task.clear_ibuf [dreg:s8], $0x6FFFF;
	_ =	strace $0x90000046  }
0xb4: {  	s29 =	simm.s32 $0x9;
	_ =	strace $0x80000048  }
0xb5: {  	_ =	swait.ge [sflag:s29], $0x1  }
0xb6: {  	[sflag:s29] =	ssyncadd.s32 $0xFFFFFFFF  }
0xb7: {  	_ =	strace $0x90000048  }
0xb8: {  	_ =	sfence  }
0xb9: {  	s30 =	sld [smem:$0x0];
	_ =	sdelay $0x2  }
0xba: {  	s31 =	sshll.u32 s1, $0xD;
	s1 =	sshrl.u32 s1, $0x2  }
0xbb: {  	s3 =	sand.u32 $0x4000, s31;
	s1 =	sadd.s32 s1, s30  }
0xbc: {  	s0 =	sor.u32 s3, s0;
	s1 =	sshll.u32 s1, $0x11  }
0xbd: {  	s0 =	sor.u32 s1, s0  }
0xbe: {  	s0 =	sadd.s32 $0x8F2B, s0  }
0xbf: {  	[sflag:s0] =	ssyncadd.remote.s32 $0x1  }
0xc0: {  	_ =	sfence.sel $0xFFFF  }
0xc1: {  	[dreg:$0x0] =	wrdreg $0xFFFFFFFF;
	(pc) =	sbr.abs _section_cstart, $3  }
0xc2: {  	[dreg:$0x1] =	wrdreg $0xFFFFFFFF  }
0xc3: {  	_ =	task.clear_ibuf [dreg:s8], $0x2FFFF;
	_ =	strace $0x9FFFFFFF  }
0xc4: {  	(tm) =	ssettm $0x7FFFFFFF  }
0xc5: {  	_ =	shalt  }
tec
execute0_lowered:
.L_overlay_start_1:
0x0: {  	(tag) =	ssettag $0x1  }
0x1: {  	s7 =	rddreg [dreg:$0x0]  }
0x2: {  	s1 =	rddreg [dreg:$0x1]  }
0x3: {  	s11 =	rddreg [dreg:$0x2];
	s4 =	srdreg.scid  }
0x4: {  	s3 =	simm.s32 $0x0;
	s0 =	stileid.u32;
	s15 =	simm.s32 $0x80  }
0x5: {  	s16 =	simm.s32 $0x100;
	s17 =	simm.s32 $0x3;
	s18 =	simm.s32 $0x2  }
0x6: {  	s19 =	simm.s32 $0x1;
	s20 =	simm.s32 $0x4;
	s21 =	simm.s32 $0x0  }
0x7: {  	s10 =	sand.u32 $0x1, s4;
	[smem:$0x7FF] =	sst s3;
	s29 =	sshll.u32 s0, $0x1  }
0x8: {  	s4 =	sadd.s32 $0xC00, s7;
	s7 =	sadd.s32 $0xE00, s7;
	s30 =	sshll.u32 s0, $0xB  }
0x9: {  	s31 =	sshll.u32 s0, $0x8;
	s5 =	ssub.s32 $0x2, s10;
	_ =	strace $0x80000047  }
0xa: {  	s8 =	sor.u32 s10, s29;
	s13 =	sshll.u32 s10, $0xA;
	s6 =	sshrl.u32 s5, $0x1  }
0xb: {  	s10 =	sshll.u32 s10, $0x7;
	s12 =	sshll.u32 s8, $0x4;
	s9 =	ssub.s32 s5, s6  }
0xc: {  	s5 =	sshll.u32 s8, $0x7;
	s6 =	sadd.s32 s4, s12;
	s8 =	sadd.s32 s12, s7  }
0xd: {  	s12 =	sor.u32 s13, s30;
	s13 =	sadd.s32 s31, s11;
	s9 =	smax.u32 s9, $0x1  }
0xe: {  	s14 =	sor.u32 $0x40000, s12;
	s12 =	sshrl.u32 s12, $0x3;
	s13 =	sadd.s32 s10, s13  }
0xf: {  	s14 =	sshrl.u32 s14, $0x3;
	s10 =	sadd.s32 s12, s11;
	s12 =	sadd.s32 $0xC0000, s13  }
0x10: {  	s13 =	sadd.s32 $0xC8000, s13;
	s11 =	sadd.s32 s14, s11;
	s14 =	simm.s32 $0x5  }
.LBB2_1:
0x11: {  	[tilespmem:s3], [sflag:$0x5] =	stream.linear.gather [hbm4b:s6+s3], $0x80, $0x38;
	[tilespmem:$0x10100] =	vst v63  }
0x12: {  	_ =	swait.ge [sflag:s14], $0x80  }
0x13: {  	[sflag:s14] =	ssyncset.done $0x0  }
0x14: {  	[sflag:s14] =	ssyncadd.s32 $0xFFFFFF80  }
0x15: {  	[tilespmem:s15], [sflag:$0x5] =	stream.linear.gather [hbm4b:s8+s3], $0x80, $0x38;
	[tilespmem:$0x10100] =	vst v63  }
0x16: {  	_ =	swait.ge [sflag:s14], $0x80  }
0x17: {  	[sflag:s14] =	ssyncset.done $0x0  }
0x18: {  	[sflag:s14] =	ssyncadd.s32 $0xFFFFFF80  }
0x19: {  	s23 =	simm.s32 $0x1;
	s24 =	simm.s32 $0x0;
	s22 =	simm.s32 $0x0;
	v0 =	vld [tilespmem:s3+$0x0]  }
.LBB2_2:
0x1a: {  	p0 =	sne.s32 s23, $0xF  }
0x1b: {  	s25 =	sshrl.u32 s24, $0x3;
	s24 =	smov.u32 s23  }
0x1c: {  	s25 =	smul.u32 $0x9C40, s25;
	_ =	sdelay $0x1  }
0x1d: {  	v0 =	vadd.s32 s25, v0  }
.Ltmp0:
0x1e: {  	v1 =	vshll.u32 v0, $0x3;
	(pc) =	sbr.rel @p0 .LBB2_2-.Ltmp0, $4  }
0x1f: {  	v0 =	vand.u32 $0x7F, v0;
	v1 =	vand.u32 $0xFFFFFC00, v1  }
0x20: {  	v0 =	vor.u32 v0, v1  }
0x21: {  	[tilespmem:s22+$0x0] =	vst v0;
	s22 =	sadd.s32 $0x10, s22  }
0x22: {  	s23 =	sadd.s32 $0x1, s23;
	v0 =	vld [tilespmem:s22+$0x0]  }
0x23: {  	_ = 	snop  }
0x24: {  	s23 =	sshrl.u32 s24, $0x3  }
0x25: {  	s23 =	smul.u32 $0x9C40, s23;
	_ =	sdelay $0x1  }
0x26: {  	v0 =	vadd.s32 s23, v0  }
0x27: {  	v1 =	vshll.u32 v0, $0x3  }
0x28: {  	v0 =	vand.u32 $0x7F, v0;
	v1 =	vand.u32 $0xFFFFFC00, v1  }
0x29: {  	v0 =	vor.u32 v0, v1  }
0x2a: {  	[tilespmem:s22+$0x0] =	vst v0  }
0x2b: {  	v0 =	vld [tilespmem:$0x0]  }
0x2c: {  	s30 =	simm.s32 $0x0  }
0x2d: {  	s23 =	smul.u32 $0x7EF400, s30;
	s22 =	simm.s32 $0x0  }
0x2e: {  	s31 =	sand.u32 $0x380, s22  }
0x2f: {  	s24 =	sor.u32 s31, s23  }
0x30: {  	s23 =	simm.s32 $0x180;
	v0 =	vadd.s32 s24, v0  }
0x31: {  	[tilespmem:s23+$0xFFFFFF80] =	vst v0  }
0x32: {  	v0 =	vld [tilespmem:$0x10];
	_ =	sdelay $0x4  }
0x33: {  	v0 =	vadd.s32 s24, v0  }
0x34: {  	[tilespmem:s23+$0xFFFFFF90] =	vst v0  }
0x35: {  	v0 =	vld [tilespmem:$0x20];
	_ =	sdelay $0x4  }
0x36: {  	v0 =	vadd.s32 s24, v0  }
0x37: {  	[tilespmem:s23+$0xFFFFFFA0] =	vst v0  }
0x38: {  	v0 =	vld [tilespmem:$0x30];
	_ =	sdelay $0x4  }
0x39: {  	v0 =	vadd.s32 s24, v0  }
0x3a: {  	[tilespmem:s23+$0xFFFFFFB0] =	vst v0  }
0x3b: {  	v0 =	vld [tilespmem:$0x40];
	_ =	sdelay $0x4  }
0x3c: {  	v0 =	vadd.s32 s24, v0  }
0x3d: {  	[tilespmem:s23+$0xFFFFFFC0] =	vst v0  }
0x3e: {  	v0 =	vld [tilespmem:$0x50];
	_ =	sdelay $0x4  }
0x3f: {  	v0 =	vadd.s32 s24, v0  }
0x40: {  	[tilespmem:s23+$0xFFFFFFD0] =	vst v0  }
0x41: {  	v0 =	vld [tilespmem:$0x60];
	_ =	sdelay $0x4  }
0x42: {  	v0 =	vadd.s32 s24, v0  }
0x43: {  	[tilespmem:s23+$0xFFFFFFE0] =	vst v0  }
0x44: {  	v0 =	vld [tilespmem:$0x70];
	_ =	sdelay $0x4  }
0x45: {  	v0 =	vadd.s32 s24, v0  }
0x46: {  	[tilespmem:s23+$0xFFFFFFF0] =	vst v0  }
0x47: {  	v0 =	vld [tilespmem:$0x80];
	_ =	sdelay $0x4  }
0x48: {  	v0 =	vadd.s32 s24, v0  }
0x49: {  	[tilespmem:s23+$0x0] =	vst v0  }
0x4a: {  	v0 =	vld [tilespmem:$0x90];
	_ =	sdelay $0x4  }
0x4b: {  	v0 =	vadd.s32 s24, v0  }
0x4c: {  	[tilespmem:s23+$0x10] =	vst v0  }
0x4d: {  	v0 =	vld [tilespmem:$0xA0];
	_ =	sdelay $0x4  }
0x4e: {  	v0 =	vadd.s32 s24, v0  }
0x4f: {  	[tilespmem:s23+$0x20] =	vst v0  }
0x50: {  	v0 =	vld [tilespmem:$0xB0];
	_ =	sdelay $0x4  }
0x51: {  	v0 =	vadd.s32 s24, v0  }
0x52: {  	[tilespmem:s23+$0x30] =	vst v0  }
0x53: {  	v0 =	vld [tilespmem:$0xC0];
	_ =	sdelay $0x4  }
0x54: {  	v0 =	vadd.s32 s24, v0  }
0x55: {  	[tilespmem:s23+$0x40] =	vst v0  }
0x56: {  	v0 =	vld [tilespmem:$0xD0];
	_ =	sdelay $0x4  }
0x57: {  	v0 =	vadd.s32 s24, v0  }
0x58: {  	[tilespmem:s23+$0x50] =	vst v0  }
0x59: {  	v0 =	vld [tilespmem:$0xE0];
	_ =	sdelay $0x4  }
0x5a: {  	v0 =	vadd.s32 s24, v0  }
0x5b: {  	[tilespmem:s23+$0x60] =	vst v0  }
0x5c: {  	v0 =	vld [tilespmem:$0xF0];
	_ =	sdelay $0x4  }
0x5d: {  	v0 =	vadd.s32 s24, v0  }
0x5e: {  	[tilespmem:s23+$0x70] =	vst v0  }
0x5f: {  	s26 =	simm.s32 $0x2;
	s25 =	simm.s32 $0x0;
	s24 =	simm.s32 $0x1;
	v0 =	vld [tilespmem:$0x0]  }
.LBB2_4:
0x60: {  	p0 =	sne.s32 s26, $0x3F;
	s28 =	sshrl.u32 s24, $0x3;
	s24 =	smov.u32 s26  }
0x61: {  	s25 =	sadd.s32 $0x80, s25;
	s28 =	smul.u32 $0x7EF400, s28  }
0x62: {  	s29 =	sand.u32 $0x380, s25  }
0x63: {  	s28 =	sor.u32 s29, s28  }
0x64: {  	s23 =	sadd.s32 $0x100, s23;
	v0 =	vadd.s32 s28, v0  }
0x65: {  	[tilespmem:s23+$0xFFFFFF80] =	vst v0  }
0x66: {  	v0 =	vld [tilespmem:$0x10];
	_ =	sdelay $0x4  }
0x67: {  	v0 =	vadd.s32 s28, v0  }
0x68: {  	[tilespmem:s23+$0xFFFFFF90] =	vst v0  }
0x69: {  	v0 =	vld [tilespmem:$0x20];
	_ =	sdelay $0x4  }
0x6a: {  	v0 =	vadd.s32 s28, v0  }
0x6b: {  	[tilespmem:s23+$0xFFFFFFA0] =	vst v0  }
0x6c: {  	v0 =	vld [tilespmem:$0x30];
	_ =	sdelay $0x4  }
0x6d: {  	v0 =	vadd.s32 s28, v0  }
0x6e: {  	[tilespmem:s23+$0xFFFFFFB0] =	vst v0  }
0x6f: {  	v0 =	vld [tilespmem:$0x40];
	_ =	sdelay $0x4  }
0x70: {  	v0 =	vadd.s32 s28, v0  }
0x71: {  	[tilespmem:s23+$0xFFFFFFC0] =	vst v0  }
0x72: {  	v0 =	vld [tilespmem:$0x50];
	_ =	sdelay $0x4  }
0x73: {  	v0 =	vadd.s32 s28, v0  }
0x74: {  	[tilespmem:s23+$0xFFFFFFD0] =	vst v0  }
0x75: {  	v0 =	vld [tilespmem:$0x60];
	_ =	sdelay $0x4  }
0x76: {  	v0 =	vadd.s32 s28, v0  }
0x77: {  	[tilespmem:s23+$0xFFFFFFE0] =	vst v0  }
0x78: {  	v0 =	vld [tilespmem:$0x70];
	_ =	sdelay $0x4  }
0x79: {  	v0 =	vadd.s32 s28, v0  }
0x7a: {  	[tilespmem:s23+$0xFFFFFFF0] =	vst v0  }
0x7b: {  	v0 =	vld [tilespmem:$0x80];
	_ =	sdelay $0x4  }
0x7c: {  	v0 =	vadd.s32 s28, v0  }
0x7d: {  	[tilespmem:s23+$0x0] =	vst v0  }
0x7e: {  	v0 =	vld [tilespmem:$0x90];
	_ =	sdelay $0x4  }
0x7f: {  	v0 =	vadd.s32 s28, v0  }
0x80: {  	[tilespmem:s23+$0x10] =	vst v0  }
0x81: {  	v0 =	vld [tilespmem:$0xA0];
	_ =	sdelay $0x4  }
0x82: {  	v0 =	vadd.s32 s28, v0  }
0x83: {  	[tilespmem:s23+$0x20] =	vst v0  }
0x84: {  	v0 =	vld [tilespmem:$0xB0];
	_ =	sdelay $0x4  }
0x85: {  	v0 =	vadd.s32 s28, v0  }
0x86: {  	[tilespmem:s23+$0x30] =	vst v0  }
0x87: {  	v0 =	vld [tilespmem:$0xC0];
	_ =	sdelay $0x4  }
0x88: {  	v0 =	vadd.s32 s28, v0  }
0x89: {  	[tilespmem:s23+$0x40] =	vst v0  }
0x8a: {  	v0 =	vld [tilespmem:$0xD0];
	_ =	sdelay $0x4  }
0x8b: {  	v0 =	vadd.s32 s28, v0  }
0x8c: {  	[tilespmem:s23+$0x50] =	vst v0  }
0x8d: {  	v0 =	vld [tilespmem:$0xE0];
	_ =	sdelay $0x4  }
0x8e: {  	v0 =	vadd.s32 s28, v0  }
0x8f: {  	[tilespmem:s23+$0x60] =	vst v0  }
0x90: {  	v0 =	vld [tilespmem:$0xF0];
	_ =	sdelay $0x2  }
.Ltmp1:
0x91: {  	(pc) =	sbr.rel @p0 .LBB2_4-.Ltmp1, $4  }
0x92: {  	_ = 	snop  }
0x93: {  	v0 =	vadd.s32 s28, v0  }
0x94: {  	[tilespmem:s23+$0x70] =	vst v0  }
0x95: {  	s26 =	sadd.s32 $0x1, s26;
	v0 =	vld [tilespmem:$0x0]  }
0x96: {  	s24 =	sshrl.u32 s24, $0x3  }
0x97: {  	s25 =	sadd.s32 $0x80, s25;
	s24 =	smul.u32 $0x7EF400, s24  }
0x98: {  	s25 =	sand.u32 $0x380, s25  }
0x99: {  	s24 =	sor.u32 s25, s24  }
0x9a: {  	s23 =	sadd.s32 $0x100, s23;
	v0 =	vadd.s32 s24, v0  }
0x9b: {  	[tilespmem:s23+$0xFFFFFF80] =	vst v0  }
0x9c: {  	v0 =	vld [tilespmem:$0x10];
	_ =	sdelay $0x4  }
0x9d: {  	v0 =	vadd.s32 s24, v0  }
0x9e: {  	[tilespmem:s23+$0xFFFFFF90] =	vst v0  }
0x9f: {  	v0 =	vld [tilespmem:$0x20];
	_ =	sdelay $0x4  }
0xa0: {  	v0 =	vadd.s32 s24, v0  }
0xa1: {  	[tilespmem:s23+$0xFFFFFFA0] =	vst v0  }
0xa2: {  	v0 =	vld [tilespmem:$0x30];
	_ =	sdelay $0x4  }
0xa3: {  	v0 =	vadd.s32 s24, v0  }
0xa4: {  	[tilespmem:s23+$0xFFFFFFB0] =	vst v0  }
0xa5: {  	v0 =	vld [tilespmem:$0x40];
	_ =	sdelay $0x4  }
0xa6: {  	v0 =	vadd.s32 s24, v0  }
0xa7: {  	[tilespmem:s23+$0xFFFFFFC0] =	vst v0  }
0xa8: {  	v0 =	vld [tilespmem:$0x50];
	_ =	sdelay $0x4  }
0xa9: {  	v0 =	vadd.s32 s24, v0  }
0xaa: {  	[tilespmem:s23+$0xFFFFFFD0] =	vst v0  }
0xab: {  	v0 =	vld [tilespmem:$0x60];
	_ =	sdelay $0x4  }
0xac: {  	v0 =	vadd.s32 s24, v0  }
0xad: {  	[tilespmem:s23+$0xFFFFFFE0] =	vst v0  }
0xae: {  	v0 =	vld [tilespmem:$0x70];
	_ =	sdelay $0x4  }
0xaf: {  	v0 =	vadd.s32 s24, v0  }
0xb0: {  	[tilespmem:s23+$0xFFFFFFF0] =	vst v0  }
0xb1: {  	v0 =	vld [tilespmem:$0x80];
	_ =	sdelay $0x4  }
0xb2: {  	v0 =	vadd.s32 s24, v0  }
0xb3: {  	[tilespmem:s23+$0x0] =	vst v0  }
0xb4: {  	v0 =	vld [tilespmem:$0x90];
	_ =	sdelay $0x4  }
0xb5: {  	v0 =	vadd.s32 s24, v0  }
0xb6: {  	[tilespmem:s23+$0x10] =	vst v0  }
0xb7: {  	v0 =	vld [tilespmem:$0xA0];
	_ =	sdelay $0x4  }
0xb8: {  	v0 =	vadd.s32 s24, v0  }
0xb9: {  	[tilespmem:s23+$0x20] =	vst v0  }
0xba: {  	v0 =	vld [tilespmem:$0xB0];
	_ =	sdelay $0x4  }
0xbb: {  	v0 =	vadd.s32 s24, v0  }
0xbc: {  	[tilespmem:s23+$0x30] =	vst v0  }
0xbd: {  	v0 =	vld [tilespmem:$0xC0];
	_ =	sdelay $0x4  }
0xbe: {  	v0 =	vadd.s32 s24, v0  }
0xbf: {  	[tilespmem:s23+$0x40] =	vst v0  }
0xc0: {  	v0 =	vld [tilespmem:$0xD0];
	_ =	sdelay $0x4  }
0xc1: {  	v0 =	vadd.s32 s24, v0  }
0xc2: {  	[tilespmem:s23+$0x50] =	vst v0  }
0xc3: {  	v0 =	vld [tilespmem:$0xE0];
	_ =	sdelay $0x4  }
0xc4: {  	v0 =	vadd.s32 s24, v0  }
0xc5: {  	[tilespmem:s23+$0x60] =	vst v0  }
0xc6: {  	v0 =	vld [tilespmem:$0xF0];
	_ =	sdelay $0x2  }
0xc7: {  	s30 =	sand.u32 $0xE000, s22  }
0xc8: {  	s26 =	sand.u32 $0x700, s22;
	s25 =	sshrl.u32 s30, $0x2  }
0xc9: {  	s22 =	simm.s32 $0x400;
	s31 =	sor.u32 s26, s25;
	v0 =	vadd.s32 s24, v0  }
0xca: {  	s25 =	simm.s32 $0x100;
	s24 =	sadd.s32 $0x8100, s31;
	[tilespmem:s23+$0x70] =	vst v0;
	s23 =	simm.s32 $0x100  }
.LBB2_6:
0xcb: {  	[tilespmem:s24], [sflag:$0x1] =	stream.indirect.gather [hbm4b:s1+s16], $0x1, s25, s16, $0xb8;
	[tilespmem:$0x10100] =	vst v63  }
0xcc: {  	s24 =	smov.u32 s22;
	p0 =	sne.s32 s22, $0xFC00  }
.Ltmp2:
0xcd: {  	s22 =	sadd.s32 $0x400, s22;
	(pc) =	sbr.rel @p0 .LBB2_6-.Ltmp2, $4  }
0xce: {  	s25 =	sand.u32 $0xE000, s24  }
0xcf: {  	s26 =	sand.u32 $0x700, s23;
	s25 =	sshrl.u32 s25, $0x2  }
0xd0: {  	s25 =	sor.u32 s26, s25;
	s26 =	sshra.s32 s24, $0x2  }
0xd1: {  	s23 =	sadd.s32 $0x100, s23;
	s24 =	sadd.s32 $0x8100, s25;
	s25 =	sadd.s32 $0x100, s26  }
.Ltmp3:
0xd2: {  	(pc) =	sbr.rel .LBB2_8-.Ltmp3, $3  }
0xd3: {  	_ =	sdelay $0x1  }
0xd4: {  	[tilespmem:s24], [sflag:$0x1] =	stream.indirect.gather [hbm4b:s1+s16], $0x1, s25, s16, $0xb8;
	[tilespmem:$0x10100] =	vst v63  }
0xd5: {  	s22 =	simm.s32 $0x1;
	s23 =	smov.u32 s11;
	s24 =	smov.u32 s10  }
.LBB2_19:
0xd6: {  	[hbm4b:s30+s3] =	stream.linear.scatter [tilespmem:s29], [sflag:$0x3], $0x80, $0x38;
	[tilespmem:$0x10100] =	vst v63  }
0xd7: {  	s0 =	sadd.s32 $0x8180, s25  }
0xd8: {  	[hbm4b:s26+s3] =	stream.linear.scatter [tilespmem:s0], [sflag:$0x3], $0x80, $0x38;
	[tilespmem:$0x10100] =	vst v63  }
0xd9: {  	s31 =	sadd.s32 $0x8280, s25;
	s28 =	sadd.s32 $0x10, s26  }
0xda: {  	[hbm4b:s28+s3] =	stream.linear.scatter [tilespmem:s31], [sflag:$0x3], $0x80, $0x38;
	[tilespmem:$0x10100] =	vst v63  }
0xdb: {  	s2 =	sadd.s32 $0x8380, s25;
	s29 =	sadd.s32 $0x20, s26  }
0xdc: {  	[hbm4b:s29+s3] =	stream.linear.scatter [tilespmem:s2], [sflag:$0x3], $0x80, $0x38;
	[tilespmem:$0x10100] =	vst v63  }
0xdd: {  	s30 =	sadd.s32 $0x8480, s25;
	s31 =	sadd.s32 $0x30, s26  }
0xde: {  	[hbm4b:s31+s3] =	stream.linear.scatter [tilespmem:s30], [sflag:$0x3], $0x80, $0x38;
	[tilespmem:$0x10100] =	vst v63  }
0xdf: {  	s2 =	sadd.s32 $0x8580, s25;
	s29 =	sadd.s32 $0x40, s26  }
0xe0: {  	[hbm4b:s29+s3] =	stream.linear.scatter [tilespmem:s2], [sflag:$0x3], $0x80, $0x38;
	[tilespmem:$0x10100] =	vst v63  }
0xe1: {  	s30 =	sadd.s32 $0x8680, s25;
	s31 =	sadd.s32 $0x50, s26  }
0xe2: {  	[hbm4b:s31+s3] =	stream.linear.scatter [tilespmem:s30], [sflag:$0x3], $0x80, $0x38;
	[tilespmem:$0x10100] =	vst v63  }
0xe3: {  	s2 =	sadd.s32 $0x8780, s25;
	s29 =	sadd.s32 $0x60, s26  }
0xe4: {  	[hbm4b:s29+s3] =	stream.linear.scatter [tilespmem:s2], [sflag:$0x3], $0x80, $0x38;
	[tilespmem:$0x10100] =	vst v63  }
0xe5: {  	s30 =	sadd.s32 $0x8880, s25;
	s31 =	sadd.s32 $0x70, s26  }
0xe6: {  	[hbm4b:s31+s3] =	stream.linear.scatter [tilespmem:s30], [sflag:$0x3], $0x80, $0x38;
	[tilespmem:$0x10100] =	vst v63  }
.LBB2_31:
0xe7: {  	s22 =	sadd.s32 $0x1, s22  }
0xe8: {  	p0 =	sne.s32 s22, $0xD  }
.Ltmp4:
0xe9: {  	_ = 	snop;
	(pc) =	sbr.rel @!p0 .LBB2_32-.Ltmp4, $2  }
0xea: {  	_ =	sdelay $0x2  }
0xeb: {  	s24 =	sadd.s32 $0x10000, s24;
	s23 =	sadd.s32 $0x10000, s23  }
.LBB2_8:
0xec: {  	s25 =	sand.u32 $0x1, s22  }
0xed: {  	p0 =	seq.s32 s25, $0x0  }
.Ltmp5:
0xee: {  	_ = 	snop;
	(pc) =	sbr.rel @!p0 .LBB2_9-.Ltmp5, $3  }
0xef: {  	_ =	sdelay $0x1  }
0xf0: {  	s31 =	sshll.u32 s22, $0xD  }
0xf1: {  	s25 =	sor.u32 s5, s31  }
0xf2: {  	_ =	swait.ge [sflag:s17], $0x4000  }
0xf3: {  	s0 =	sshrl.u32 s25, $0x3;
	[sflag:s17] =	ssyncset.done $0x0  }
0xf4: {  	s25 =	simm.s32 $0x0;
	s26 =	sadd.s32 s4, s0;
	[sflag:s17] =	ssyncadd.s32 $0xFFFFC000  }
0xf5: {  	[tilespmem:s25], [sflag:$0x5] =	stream.linear.gather [hbm4b:s26+s25], $0x80, $0x38;
	[tilespmem:$0x10100] =	vst v63  }
0xf6: {  	_ =	swait.ge [sflag:s14], $0x80  }
0xf7: {  	[sflag:s14] =	ssyncset.done $0x0  }
0xf8: {  	s0 =	sadd.s32 s0, s7;
	[sflag:s14] =	ssyncadd.s32 $0xFFFFFF80  }
0xf9: {  	[tilespmem:s15], [sflag:$0x5] =	stream.linear.gather [hbm4b:s0+s25], $0x80, $0x38;
	[tilespmem:$0x10100] =	vst v63  }
0xfa: {  	_ =	swait.ge [sflag:s14], $0x80  }
0xfb: {  	[sflag:s14] =	ssyncset.done $0x0  }
0xfc: {  	s28 =	sshll.u32 s22, $0x1;
	[sflag:s14] =	ssyncadd.s32 $0xFFFFFF80  }
0xfd: {  	s29 =	simm.s32 $0x1;
	s30 =	simm.s32 $0x0;
	s26 =	simm.s32 $0x0;
	v0 =	vld [tilespmem:s25+$0x0]  }
.LBB2_21:
0xfe: {  	p0 =	sne.s32 s29, $0xF;
	s0 =	sshrl.u32 s30, $0x3;
	s30 =	smov.u32 s29  }
0xff: {  	s0 =	sadd.s32 s28, s0  }
0x100: {  	s0 =	smul.u32 $0x9C40, s0;
	_ =	sdelay $0x1  }
0x101: {  	v0 =	vadd.s32 s0, v0  }
.Ltmp6:
0x102: {  	v1 =	vshll.u32 v0, $0x3;
	(pc) =	sbr.rel @p0 .LBB2_21-.Ltmp6, $4  }
0x103: {  	v0 =	vand.u32 $0x7F, v0;
	v1 =	vand.u32 $0xFFFFFC00, v1  }
0x104: {  	v0 =	vor.u32 v0, v1  }
0x105: {  	[tilespmem:s26+$0x0] =	vst v0;
	s26 =	sadd.s32 $0x10, s26  }
0x106: {  	s29 =	sadd.s32 $0x1, s29;
	v0 =	vld [tilespmem:s26+$0x0]  }
0x107: {  	s0 =	sshrl.u32 s30, $0x3  }
0x108: {  	s0 =	sadd.s32 s28, s0  }
0x109: {  	s0 =	smul.u32 $0x9C40, s0;
	_ =	sdelay $0x1  }
0x10a: {  	v0 =	vadd.s32 s0, v0  }
0x10b: {  	v1 =	vshll.u32 v0, $0x3  }
0x10c: {  	v0 =	vand.u32 $0x7F, v0;
	v1 =	vand.u32 $0xFFFFFC00, v1  }
0x10d: {  	v0 =	vor.u32 v0, v1  }
0x10e: {  	[tilespmem:s26+$0x0] =	vst v0  }
0x10f: {  	v0 =	vld [tilespmem:$0x0]  }
0x110: {  	s30 =	simm.s32 $0x0  }
0x111: {  	s0 =	smul.u32 $0x7EF400, s30  }
0x112: {  	s31 =	sand.u32 $0x380, s25  }
0x113: {  	s0 =	sor.u32 s31, s0  }
0x114: {  	s26 =	simm.s32 $0x180;
	v0 =	vadd.s32 s0, v0  }
0x115: {  	[tilespmem:s26+$0xFFFFFF80] =	vst v0  }
0x116: {  	v0 =	vld [tilespmem:$0x10];
	_ =	sdelay $0x4  }
0x117: {  	v0 =	vadd.s32 s0, v0  }
0x118: {  	[tilespmem:s26+$0xFFFFFF90] =	vst v0  }
0x119: {  	v0 =	vld [tilespmem:$0x20];
	_ =	sdelay $0x4  }
0x11a: {  	v0 =	vadd.s32 s0, v0  }
0x11b: {  	[tilespmem:s26+$0xFFFFFFA0] =	vst v0  }
0x11c: {  	v0 =	vld [tilespmem:$0x30];
	_ =	sdelay $0x4  }
0x11d: {  	v0 =	vadd.s32 s0, v0  }
0x11e: {  	[tilespmem:s26+$0xFFFFFFB0] =	vst v0  }
0x11f: {  	v0 =	vld [tilespmem:$0x40];
	_ =	sdelay $0x4  }
0x120: {  	v0 =	vadd.s32 s0, v0  }
0x121: {  	[tilespmem:s26+$0xFFFFFFC0] =	vst v0  }
0x122: {  	v0 =	vld [tilespmem:$0x50];
	_ =	sdelay $0x4  }
0x123: {  	v0 =	vadd.s32 s0, v0  }
0x124: {  	[tilespmem:s26+$0xFFFFFFD0] =	vst v0  }
0x125: {  	v0 =	vld [tilespmem:$0x60];
	_ =	sdelay $0x4  }
0x126: {  	v0 =	vadd.s32 s0, v0  }
0x127: {  	[tilespmem:s26+$0xFFFFFFE0] =	vst v0  }
0x128: {  	v0 =	vld [tilespmem:$0x70];
	_ =	sdelay $0x4  }
0x129: {  	v0 =	vadd.s32 s0, v0  }
0x12a: {  	[tilespmem:s26+$0xFFFFFFF0] =	vst v0  }
0x12b: {  	v0 =	vld [tilespmem:$0x80];
	_ =	sdelay $0x4  }
0x12c: {  	v0 =	vadd.s32 s0, v0  }
0x12d: {  	[tilespmem:s26+$0x0] =	vst v0  }
0x12e: {  	v0 =	vld [tilespmem:$0x90];
	_ =	sdelay $0x4  }
0x12f: {  	v0 =	vadd.s32 s0, v0  }
0x130: {  	[tilespmem:s26+$0x10] =	vst v0  }
0x131: {  	v0 =	vld [tilespmem:$0xA0];
	_ =	sdelay $0x4  }
0x132: {  	v0 =	vadd.s32 s0, v0  }
0x133: {  	[tilespmem:s26+$0x20] =	vst v0  }
0x134: {  	v0 =	vld [tilespmem:$0xB0];
	_ =	sdelay $0x4  }
0x135: {  	v0 =	vadd.s32 s0, v0  }
0x136: {  	[tilespmem:s26+$0x30] =	vst v0  }
0x137: {  	v0 =	vld [tilespmem:$0xC0];
	_ =	sdelay $0x4  }
0x138: {  	v0 =	vadd.s32 s0, v0  }
0x139: {  	[tilespmem:s26+$0x40] =	vst v0  }
0x13a: {  	v0 =	vld [tilespmem:$0xD0];
	_ =	sdelay $0x4  }
0x13b: {  	v0 =	vadd.s32 s0, v0  }
0x13c: {  	[tilespmem:s26+$0x50] =	vst v0  }
0x13d: {  	v0 =	vld [tilespmem:$0xE0];
	_ =	sdelay $0x4  }
0x13e: {  	v0 =	vadd.s32 s0, v0  }
0x13f: {  	[tilespmem:s26+$0x60] =	vst v0  }
0x140: {  	v0 =	vld [tilespmem:$0xF0];
	_ =	sdelay $0x4  }
0x141: {  	v0 =	vadd.s32 s0, v0  }
0x142: {  	[tilespmem:s26+$0x70] =	vst v0  }
0x143: {  	s29 =	simm.s32 $0x2;
	s28 =	simm.s32 $0x1;
	v0 =	vld [tilespmem:$0x0]  }
.LBB2_23:
0x144: {  	p0 =	sne.s32 s29, $0x3F;
	s0 =	sshrl.u32 s28, $0x3;
	s28 =	smov.u32 s29  }
0x145: {  	s25 =	sadd.s32 $0x80, s25;
	s0 =	smul.u32 $0x7EF400, s0  }
0x146: {  	s30 =	sand.u32 $0x380, s25  }
0x147: {  	s30 =	sor.u32 s30, s0  }
0x148: {  	s26 =	sadd.s32 $0x100, s26;
	v0 =	vadd.s32 s30, v0  }
0x149: {  	[tilespmem:s26+$0xFFFFFF80] =	vst v0  }
0x14a: {  	v0 =	vld [tilespmem:$0x10];
	_ =	sdelay $0x4  }
0x14b: {  	v0 =	vadd.s32 s30, v0  }
0x14c: {  	[tilespmem:s26+$0xFFFFFF90] =	vst v0  }
0x14d: {  	v0 =	vld [tilespmem:$0x20];
	_ =	sdelay $0x4  }
0x14e: {  	v0 =	vadd.s32 s30, v0  }
0x14f: {  	[tilespmem:s26+$0xFFFFFFA0] =	vst v0  }
0x150: {  	v0 =	vld [tilespmem:$0x30];
	_ =	sdelay $0x4  }
0x151: {  	v0 =	vadd.s32 s30, v0  }
0x152: {  	[tilespmem:s26+$0xFFFFFFB0] =	vst v0  }
0x153: {  	v0 =	vld [tilespmem:$0x40];
	_ =	sdelay $0x4  }
0x154: {  	v0 =	vadd.s32 s30, v0  }
0x155: {  	[tilespmem:s26+$0xFFFFFFC0] =	vst v0  }
0x156: {  	v0 =	vld [tilespmem:$0x50];
	_ =	sdelay $0x4  }
0x157: {  	v0 =	vadd.s32 s30, v0  }
0x158: {  	[tilespmem:s26+$0xFFFFFFD0] =	vst v0  }
0x159: {  	v0 =	vld [tilespmem:$0x60];
	_ =	sdelay $0x4  }
0x15a: {  	v0 =	vadd.s32 s30, v0  }
0x15b: {  	[tilespmem:s26+$0xFFFFFFE0] =	vst v0  }
0x15c: {  	v0 =	vld [tilespmem:$0x70];
	_ =	sdelay $0x4  }
0x15d: {  	v0 =	vadd.s32 s30, v0  }
0x15e: {  	[tilespmem:s26+$0xFFFFFFF0] =	vst v0  }
0x15f: {  	v0 =	vld [tilespmem:$0x80];
	_ =	sdelay $0x4  }
0x160: {  	v0 =	vadd.s32 s30, v0  }
0x161: {  	[tilespmem:s26+$0x0] =	vst v0  }
0x162: {  	v0 =	vld [tilespmem:$0x90];
	_ =	sdelay $0x4  }
0x163: {  	v0 =	vadd.s32 s30, v0  }
0x164: {  	[tilespmem:s26+$0x10] =	vst v0  }
0x165: {  	v0 =	vld [tilespmem:$0xA0];
	_ =	sdelay $0x4  }
0x166: {  	v0 =	vadd.s32 s30, v0  }
0x167: {  	[tilespmem:s26+$0x20] =	vst v0  }
0x168: {  	v0 =	vld [tilespmem:$0xB0];
	_ =	sdelay $0x4  }
0x169: {  	v0 =	vadd.s32 s30, v0  }
0x16a: {  	[tilespmem:s26+$0x30] =	vst v0  }
0x16b: {  	v0 =	vld [tilespmem:$0xC0];
	_ =	sdelay $0x4  }
0x16c: {  	v0 =	vadd.s32 s30, v0  }
0x16d: {  	[tilespmem:s26+$0x40] =	vst v0  }
0x16e: {  	v0 =	vld [tilespmem:$0xD0];
	_ =	sdelay $0x4  }
0x16f: {  	v0 =	vadd.s32 s30, v0  }
0x170: {  	[tilespmem:s26+$0x50] =	vst v0  }
0x171: {  	v0 =	vld [tilespmem:$0xE0];
	_ =	sdelay $0x4  }
0x172: {  	v0 =	vadd.s32 s30, v0  }
0x173: {  	[tilespmem:s26+$0x60] =	vst v0  }
0x174: {  	v0 =	vld [tilespmem:$0xF0];
	_ =	sdelay $0x2  }
.Ltmp7:
0x175: {  	(pc) =	sbr.rel @p0 .LBB2_23-.Ltmp7, $4  }
0x176: {  	_ = 	snop  }
0x177: {  	v0 =	vadd.s32 s30, v0  }
0x178: {  	[tilespmem:s26+$0x70] =	vst v0  }
0x179: {  	s29 =	sadd.s32 $0x1, s29;
	v0 =	vld [tilespmem:$0x0]  }
0x17a: {  	s0 =	sshrl.u32 s28, $0x3  }
0x17b: {  	s25 =	sadd.s32 $0x80, s25;
	s0 =	smul.u32 $0x7EF400, s0  }
0x17c: {  	s25 =	sand.u32 $0x380, s25  }
0x17d: {  	s0 =	sor.u32 s25, s0  }
0x17e: {  	s26 =	sadd.s32 $0x100, s26;
	v0 =	vadd.s32 s0, v0  }
0x17f: {  	[tilespmem:s26+$0xFFFFFF80] =	vst v0  }
0x180: {  	v0 =	vld [tilespmem:$0x10];
	_ =	sdelay $0x4  }
0x181: {  	v0 =	vadd.s32 s0, v0  }
0x182: {  	[tilespmem:s26+$0xFFFFFF90] =	vst v0  }
0x183: {  	v0 =	vld [tilespmem:$0x20];
	_ =	sdelay $0x4  }
0x184: {  	v0 =	vadd.s32 s0, v0  }
0x185: {  	[tilespmem:s26+$0xFFFFFFA0] =	vst v0  }
0x186: {  	v0 =	vld [tilespmem:$0x30];
	_ =	sdelay $0x4  }
0x187: {  	v0 =	vadd.s32 s0, v0  }
0x188: {  	[tilespmem:s26+$0xFFFFFFB0] =	vst v0  }
0x189: {  	v0 =	vld [tilespmem:$0x40];
	_ =	sdelay $0x4  }
0x18a: {  	v0 =	vadd.s32 s0, v0  }
0x18b: {  	[tilespmem:s26+$0xFFFFFFC0] =	vst v0  }
0x18c: {  	v0 =	vld [tilespmem:$0x50];
	_ =	sdelay $0x4  }
0x18d: {  	v0 =	vadd.s32 s0, v0  }
0x18e: {  	[tilespmem:s26+$0xFFFFFFD0] =	vst v0  }
0x18f: {  	v0 =	vld [tilespmem:$0x60];
	_ =	sdelay $0x4  }
0x190: {  	v0 =	vadd.s32 s0, v0  }
0x191: {  	[tilespmem:s26+$0xFFFFFFE0] =	vst v0  }
0x192: {  	v0 =	vld [tilespmem:$0x70];
	_ =	sdelay $0x4  }
0x193: {  	v0 =	vadd.s32 s0, v0  }
0x194: {  	[tilespmem:s26+$0xFFFFFFF0] =	vst v0  }
0x195: {  	v0 =	vld [tilespmem:$0x80];
	_ =	sdelay $0x4  }
0x196: {  	v0 =	vadd.s32 s0, v0  }
0x197: {  	[tilespmem:s26+$0x0] =	vst v0  }
0x198: {  	v0 =	vld [tilespmem:$0x90];
	_ =	sdelay $0x4  }
0x199: {  	v0 =	vadd.s32 s0, v0  }
0x19a: {  	[tilespmem:s26+$0x10] =	vst v0  }
0x19b: {  	v0 =	vld [tilespmem:$0xA0];
	_ =	sdelay $0x4  }
0x19c: {  	v0 =	vadd.s32 s0, v0  }
0x19d: {  	[tilespmem:s26+$0x20] =	vst v0  }
0x19e: {  	v0 =	vld [tilespmem:$0xB0];
	_ =	sdelay $0x4  }
0x19f: {  	v0 =	vadd.s32 s0, v0  }
0x1a0: {  	[tilespmem:s26+$0x30] =	vst v0  }
0x1a1: {  	v0 =	vld [tilespmem:$0xC0];
	_ =	sdelay $0x4  }
0x1a2: {  	v0 =	vadd.s32 s0, v0  }
0x1a3: {  	[tilespmem:s26+$0x40] =	vst v0  }
0x1a4: {  	v0 =	vld [tilespmem:$0xD0];
	_ =	sdelay $0x4  }
0x1a5: {  	v0 =	vadd.s32 s0, v0  }
0x1a6: {  	[tilespmem:s26+$0x50] =	vst v0  }
0x1a7: {  	v0 =	vld [tilespmem:$0xE0];
	_ =	sdelay $0x4  }
0x1a8: {  	v0 =	vadd.s32 s0, v0  }
0x1a9: {  	[tilespmem:s26+$0x60] =	vst v0  }
0x1aa: {  	v0 =	vld [tilespmem:$0xF0];
	_ =	sdelay $0x1  }
0x1ab: {  	s30 =	simm.s32 $0x0  }
0x1ac: {  	s28 =	sand.u32 $0xE000, s30  }
0x1ad: {  	s29 =	sand.u32 $0x700, s30;
	s28 =	sshrl.u32 s28, $0x2  }
0x1ae: {  	s25 =	simm.s32 $0x400;
	s31 =	sor.u32 s29, s28;
	v0 =	vadd.s32 s0, v0  }
0x1af: {  	s29 =	simm.s32 $0x100;
	s28 =	sadd.s32 $0x8100, s31;
	[tilespmem:s26+$0x70] =	vst v0;
	s26 =	simm.s32 $0x100  }
.LBB2_25:
0x1b0: {  	[tilespmem:s28], [sflag:$0x1] =	stream.indirect.gather [hbm4b:s1+s16], $0x1, s29, s16, $0xb8;
	[tilespmem:$0x10100] =	vst v63  }
0x1b1: {  	s0 =	smov.u32 s25;
	p0 =	sne.s32 s25, $0xFC00  }
.Ltmp8:
0x1b2: {  	s25 =	sadd.s32 $0x400, s25;
	(pc) =	sbr.rel @p0 .LBB2_25-.Ltmp8, $4  }
0x1b3: {  	s28 =	sand.u32 $0xE000, s0  }
0x1b4: {  	s29 =	sand.u32 $0x700, s26;
	s28 =	sshrl.u32 s28, $0x2  }
0x1b5: {  	s0 =	sshra.s32 s0, $0x2;
	s28 =	sor.u32 s29, s28  }
0x1b6: {  	s26 =	sadd.s32 $0x100, s26;
	s29 =	sadd.s32 $0x100, s0;
	s28 =	sadd.s32 $0x8100, s28  }
0x1b7: {  	[tilespmem:s28], [sflag:$0x1] =	stream.indirect.gather [hbm4b:s1+s16], $0x1, s29, s16, $0xb8;
	[tilespmem:$0x10100] =	vst v63  }
0x1b8: {  	_ =	swait.ge [sflag:s18], $0x4000  }
0x1b9: {  	[sflag:s18] =	ssyncset.done $0x0  }
0x1ba: {  	s25 =	simm.s32 $0x0;
	s0 =	simm.s32 $0xC100;
	[sflag:s18] =	ssyncadd.s32 $0xFFFFC000  }
0x1bb: {  	[hbm4b:s24+s25] =	stream.linear.scatter [tilespmem:s0], [sflag:$0x4], $0x80, $0x38;
	[tilespmem:$0x10100] =	vst v63  }
0x1bc: {  	s2 =	simm.s32 $0xC200;
	s26 =	sadd.s32 $0x10, s24  }
0x1bd: {  	[hbm4b:s26+s25] =	stream.linear.scatter [tilespmem:s2], [sflag:$0x4], $0x80, $0x38;
	[tilespmem:$0x10100] =	vst v63  }
0x1be: {  	s26 =	simm.s32 $0xC300;
	s2 =	sadd.s32 $0x20, s24  }
0x1bf: {  	[hbm4b:s2+s25] =	stream.linear.scatter [tilespmem:s26], [sflag:$0x4], $0x80, $0x38;
	[tilespmem:$0x10100] =	vst v63  }
0x1c0: {  	s26 =	simm.s32 $0xC400;
	s2 =	sadd.s32 $0x30, s24  }
0x1c1: {  	[hbm4b:s2+s25] =	stream.linear.scatter [tilespmem:s26], [sflag:$0x4], $0x80, $0x38;
	[tilespmem:$0x10100] =	vst v63  }
0x1c2: {  	s26 =	simm.s32 $0xC500;
	s2 =	sadd.s32 $0x40, s24  }
0x1c3: {  	[hbm4b:s2+s25] =	stream.linear.scatter [tilespmem:s26], [sflag:$0x4], $0x80, $0x38;
	[tilespmem:$0x10100] =	vst v63  }
0x1c4: {  	s29 =	simm.s32 $0x4000;
	s26 =	simm.s32 $0xC600;
	s2 =	sadd.s32 $0x50, s24  }
0x1c5: {  	[hbm4b:s2+s25] =	stream.linear.scatter [tilespmem:s26], [sflag:$0x4], $0x80, $0x38;
	[tilespmem:$0x10100] =	vst v63  }
0x1c6: {  	s30 =	simm.s32 $0xC800;
	s26 =	simm.s32 $0xC700;
	s2 =	sadd.s32 $0x60, s24  }
0x1c7: {  	[hbm4b:s2+s25] =	stream.linear.scatter [tilespmem:s26], [sflag:$0x4], $0x80, $0x38;
	[tilespmem:$0x10100] =	vst v63  }
0x1c8: {  	s31 =	sadd.s32 $0x70, s24;
	s28 =	sadd.s32 $0x1000, s24;
	s26 =	simm.s32 $0x800  }
.LBB2_27:
0x1c9: {  	[hbm4b:s31+s25] =	stream.linear.scatter [tilespmem:s30], [sflag:$0x4], $0x80, $0x38;
	[tilespmem:$0x10100] =	vst v63  }
0x1ca: {  	s0 =	smov.u32 s26;
	s26 =	smov.u32 s29  }
0x1cb: {  	s2 =	sadd.s32 $0x2000, s29;
	s26 =	sshra.s32 s26, $0x2;
	s30 =	sadd.s32 $0xC100, s0  }
0x1cc: {  	[hbm4b:s28+s25] =	stream.linear.scatter [tilespmem:s30], [sflag:$0x4], $0x80, $0x38;
	[tilespmem:$0x10100] =	vst v63  }
0x1cd: {  	p0 =	sne.s32 s29, $0xE000;
	s29 =	sadd.s32 $0xC200, s0;
	s30 =	sadd.s32 $0x10, s28  }
0x1ce: {  	[hbm4b:s30+s25] =	stream.linear.scatter [tilespmem:s29], [sflag:$0x4], $0x80, $0x38;
	[tilespmem:$0x10100] =	vst v63  }
0x1cf: {  	s29 =	sadd.s32 $0xC300, s0;
	s30 =	sadd.s32 $0x20, s28  }
0x1d0: {  	[hbm4b:s30+s25] =	stream.linear.scatter [tilespmem:s29], [sflag:$0x4], $0x80, $0x38;
	[tilespmem:$0x10100] =	vst v63  }
0x1d1: {  	s29 =	sadd.s32 $0xC400, s0;
	s30 =	sadd.s32 $0x30, s28  }
0x1d2: {  	[hbm4b:s30+s25] =	stream.linear.scatter [tilespmem:s29], [sflag:$0x4], $0x80, $0x38;
	[tilespmem:$0x10100] =	vst v63  }
0x1d3: {  	s29 =	sadd.s32 $0xC500, s0;
	s30 =	sadd.s32 $0x40, s28  }
0x1d4: {  	[hbm4b:s30+s25] =	stream.linear.scatter [tilespmem:s29], [sflag:$0x4], $0x80, $0x38;
	[tilespmem:$0x10100] =	vst v63  }
.Ltmp9:
0x1d5: {  	s29 =	sadd.s32 $0xC600, s0;
	s30 =	sadd.s32 $0x50, s28;
	(pc) =	sbr.rel @p0 .LBB2_27-.Ltmp9, $4  }
0x1d6: {  	[hbm4b:s30+s25] =	stream.linear.scatter [tilespmem:s29], [sflag:$0x4], $0x80, $0x38;
	[tilespmem:$0x10100] =	vst v63  }
0x1d7: {  	s31 =	sadd.s32 $0x70, s28;
	s29 =	sadd.s32 $0xC700, s0;
	s30 =	sadd.s32 $0x60, s28  }
0x1d8: {  	[hbm4b:s30+s25] =	stream.linear.scatter [tilespmem:s29], [sflag:$0x4], $0x80, $0x38;
	[tilespmem:$0x10100] =	vst v63  }
0x1d9: {  	s28 =	sadd.s32 $0x1000, s28;
	s30 =	sadd.s32 $0xC800, s0;
	s29 =	smov.u32 s2  }
0x1da: {  	[hbm4b:s31+s25] =	stream.linear.scatter [tilespmem:s30], [sflag:$0x4], $0x80, $0x38;
	[tilespmem:$0x10100] =	vst v63  }
0x1db: {  	s0 =	sadd.s32 $0xC100, s26  }
0x1dc: {  	[hbm4b:s28+s25] =	stream.linear.scatter [tilespmem:s0], [sflag:$0x4], $0x80, $0x38;
	[tilespmem:$0x10100] =	vst v63  }
0x1dd: {  	s31 =	sadd.s32 $0xC200, s26;
	s2 =	sadd.s32 $0x10, s28  }
0x1de: {  	[hbm4b:s2+s25] =	stream.linear.scatter [tilespmem:s31], [sflag:$0x4], $0x80, $0x38;
	[tilespmem:$0x10100] =	vst v63  }
0x1df: {  	s2 =	sadd.s32 $0xC300, s26;
	s31 =	sadd.s32 $0x20, s28  }
0x1e0: {  	[hbm4b:s31+s25] =	stream.linear.scatter [tilespmem:s2], [sflag:$0x4], $0x80, $0x38;
	[tilespmem:$0x10100] =	vst v63  }
0x1e1: {  	s2 =	sadd.s32 $0xC400, s26;
	s31 =	sadd.s32 $0x30, s28  }
0x1e2: {  	[hbm4b:s31+s25] =	stream.linear.scatter [tilespmem:s2], [sflag:$0x4], $0x80, $0x38;
	[tilespmem:$0x10100] =	vst v63  }
0x1e3: {  	s2 =	sadd.s32 $0xC500, s26;
	s31 =	sadd.s32 $0x40, s28  }
0x1e4: {  	[hbm4b:s31+s25] =	stream.linear.scatter [tilespmem:s2], [sflag:$0x4], $0x80, $0x38;
	[tilespmem:$0x10100] =	vst v63  }
0x1e5: {  	s2 =	sadd.s32 $0xC600, s26;
	s31 =	sadd.s32 $0x50, s28  }
0x1e6: {  	[hbm4b:s31+s25] =	stream.linear.scatter [tilespmem:s2], [sflag:$0x4], $0x80, $0x38;
	[tilespmem:$0x10100] =	vst v63  }
0x1e7: {  	s2 =	sadd.s32 $0xC700, s26;
	s31 =	sadd.s32 $0x60, s28  }
0x1e8: {  	[hbm4b:s31+s25] =	stream.linear.scatter [tilespmem:s2], [sflag:$0x4], $0x80, $0x38;
	[tilespmem:$0x10100] =	vst v63  }
0x1e9: {  	s2 =	sadd.s32 $0xC800, s26;
	s26 =	sadd.s32 $0x70, s28  }
0x1ea: {  	[hbm4b:s26+s25] =	stream.linear.scatter [tilespmem:s2], [sflag:$0x4], $0x80, $0x38;
	[tilespmem:$0x10100] =	vst v63  }
0x1eb: {  	s31 =	simm.s32 $0xC180  }
0x1ec: {  	[hbm4b:s23+s3] =	stream.linear.scatter [tilespmem:s31], [sflag:$0x4], $0x80, $0x38;
	[tilespmem:$0x10100] =	vst v63  }
0x1ed: {  	s2 =	simm.s32 $0xC280;
	s25 =	sadd.s32 $0x10, s23  }
0x1ee: {  	[hbm4b:s25+s3] =	stream.linear.scatter [tilespmem:s2], [sflag:$0x4], $0x80, $0x38;
	[tilespmem:$0x10100] =	vst v63  }
0x1ef: {  	s26 =	simm.s32 $0xC380;
	s31 =	sadd.s32 $0x20, s23  }
0x1f0: {  	[hbm4b:s31+s3] =	stream.linear.scatter [tilespmem:s26], [sflag:$0x4], $0x80, $0x38;
	[tilespmem:$0x10100] =	vst v63  }
0x1f1: {  	s2 =	simm.s32 $0xC480;
	s25 =	sadd.s32 $0x30, s23  }
0x1f2: {  	[hbm4b:s25+s3] =	stream.linear.scatter [tilespmem:s2], [sflag:$0x4], $0x80, $0x38;
	[tilespmem:$0x10100] =	vst v63  }
0x1f3: {  	s26 =	simm.s32 $0xC580;
	s31 =	sadd.s32 $0x40, s23  }
0x1f4: {  	[hbm4b:s31+s3] =	stream.linear.scatter [tilespmem:s26], [sflag:$0x4], $0x80, $0x38;
	[tilespmem:$0x10100] =	vst v63  }
0x1f5: {  	s29 =	simm.s32 $0xC880;
	s2 =	simm.s32 $0xC680;
	s25 =	sadd.s32 $0x50, s23  }
0x1f6: {  	[hbm4b:s25+s3] =	stream.linear.scatter [tilespmem:s2], [sflag:$0x4], $0x80, $0x38;
	[tilespmem:$0x10100] =	vst v63  }
0x1f7: {  	s30 =	sadd.s32 $0x70, s23;
	s26 =	simm.s32 $0xC780;
	s31 =	sadd.s32 $0x60, s23  }
0x1f8: {  	[hbm4b:s31+s3] =	stream.linear.scatter [tilespmem:s26], [sflag:$0x4], $0x80, $0x38;
	[tilespmem:$0x10100] =	vst v63  }
0x1f9: {  	s28 =	simm.s32 $0x4000;
	s25 =	simm.s32 $0x800;
	s26 =	sadd.s32 $0x1000, s23  }
.LBB2_29:
0x1fa: {  	[hbm4b:s30+s3] =	stream.linear.scatter [tilespmem:s29], [sflag:$0x4], $0x80, $0x38;
	[tilespmem:$0x10100] =	vst v63  }
0x1fb: {  	s0 =	smov.u32 s25;
	s2 =	smov.u32 s28  }
0x1fc: {  	s25 =	sshra.s32 s2, $0x2;
	s2 =	sadd.s32 $0x2000, s28;
	s29 =	sadd.s32 $0xC180, s0  }
0x1fd: {  	[hbm4b:s26+s3] =	stream.linear.scatter [tilespmem:s29], [sflag:$0x4], $0x80, $0x38;
	[tilespmem:$0x10100] =	vst v63  }
0x1fe: {  	p0 =	sne.s32 s28, $0xE000;
	s28 =	sadd.s32 $0xC280, s0;
	s29 =	sadd.s32 $0x10, s26  }
0x1ff: {  	[hbm4b:s29+s3] =	stream.linear.scatter [tilespmem:s28], [sflag:$0x4], $0x80, $0x38;
	[tilespmem:$0x10100] =	vst v63  }
0x200: {  	s28 =	sadd.s32 $0xC380, s0;
	s29 =	sadd.s32 $0x20, s26  }
0x201: {  	[hbm4b:s29+s3] =	stream.linear.scatter [tilespmem:s28], [sflag:$0x4], $0x80, $0x38;
	[tilespmem:$0x10100] =	vst v63  }
0x202: {  	s28 =	sadd.s32 $0xC480, s0;
	s29 =	sadd.s32 $0x30, s26  }
0x203: {  	[hbm4b:s29+s3] =	stream.linear.scatter [tilespmem:s28], [sflag:$0x4], $0x80, $0x38;
	[tilespmem:$0x10100] =	vst v63  }
0x204: {  	s28 =	sadd.s32 $0xC580, s0;
	s29 =	sadd.s32 $0x40, s26  }
0x205: {  	[hbm4b:s29+s3] =	stream.linear.scatter [tilespmem:s28], [sflag:$0x4], $0x80, $0x38;
	[tilespmem:$0x10100] =	vst v63  }
.Ltmp10:
0x206: {  	s28 =	sadd.s32 $0xC680, s0;
	s29 =	sadd.s32 $0x50, s26;
	(pc) =	sbr.rel @p0 .LBB2_29-.Ltmp10, $4  }
0x207: {  	[hbm4b:s29+s3] =	stream.linear.scatter [tilespmem:s28], [sflag:$0x4], $0x80, $0x38;
	[tilespmem:$0x10100] =	vst v63  }
0x208: {  	s30 =	sadd.s32 $0x70, s26;
	s28 =	sadd.s32 $0xC780, s0;
	s29 =	sadd.s32 $0x60, s26  }
0x209: {  	[hbm4b:s29+s3] =	stream.linear.scatter [tilespmem:s28], [sflag:$0x4], $0x80, $0x38;
	[tilespmem:$0x10100] =	vst v63  }
0x20a: {  	s26 =	sadd.s32 $0x1000, s26;
	s29 =	sadd.s32 $0xC880, s0;
	s28 =	smov.u32 s2  }
0x20b: {  	[hbm4b:s30+s3] =	stream.linear.scatter [tilespmem:s29], [sflag:$0x4], $0x80, $0x38;
	[tilespmem:$0x10100] =	vst v63  }
0x20c: {  	s0 =	sadd.s32 $0xC180, s25  }
0x20d: {  	[hbm4b:s26+s3] =	stream.linear.scatter [tilespmem:s0], [sflag:$0x4], $0x80, $0x38;
	[tilespmem:$0x10100] =	vst v63  }
0x20e: {  	s31 =	sadd.s32 $0xC280, s25;
	s2 =	sadd.s32 $0x10, s26  }
0x20f: {  	[hbm4b:s2+s3] =	stream.linear.scatter [tilespmem:s31], [sflag:$0x4], $0x80, $0x38;
	[tilespmem:$0x10100] =	vst v63  }
0x210: {  	s28 =	sadd.s32 $0xC380, s25;
	s29 =	sadd.s32 $0x20, s26  }
0x211: {  	[hbm4b:s29+s3] =	stream.linear.scatter [tilespmem:s28], [sflag:$0x4], $0x80, $0x38;
	[tilespmem:$0x10100] =	vst v63  }
0x212: {  	s30 =	sadd.s32 $0xC480, s25;
	s31 =	sadd.s32 $0x30, s26  }
0x213: {  	[hbm4b:s31+s3] =	stream.linear.scatter [tilespmem:s30], [sflag:$0x4], $0x80, $0x38;
	[tilespmem:$0x10100] =	vst v63  }
0x214: {  	s28 =	sadd.s32 $0xC580, s25;
	s29 =	sadd.s32 $0x40, s26  }
0x215: {  	[hbm4b:s29+s3] =	stream.linear.scatter [tilespmem:s28], [sflag:$0x4], $0x80, $0x38;
	[tilespmem:$0x10100] =	vst v63  }
0x216: {  	s30 =	sadd.s32 $0xC680, s25;
	s31 =	sadd.s32 $0x50, s26  }
0x217: {  	[hbm4b:s31+s3] =	stream.linear.scatter [tilespmem:s30], [sflag:$0x4], $0x80, $0x38;
	[tilespmem:$0x10100] =	vst v63  }
.Ltmp11:
0x218: {  	_ = 	snop;
	(pc) =	sbr.rel .LBB2_31-.Ltmp11, $4  }
0x219: {  	s28 =	sadd.s32 $0xC780, s25;
	s29 =	sadd.s32 $0x60, s26  }
0x21a: {  	[hbm4b:s29+s3] =	stream.linear.scatter [tilespmem:s28], [sflag:$0x4], $0x80, $0x38;
	[tilespmem:$0x10100] =	vst v63  }
0x21b: {  	s30 =	sadd.s32 $0xC880, s25;
	s31 =	sadd.s32 $0x70, s26  }
0x21c: {  	[hbm4b:s31+s3] =	stream.linear.scatter [tilespmem:s30], [sflag:$0x4], $0x80, $0x38;
	[tilespmem:$0x10100] =	vst v63  }
.LBB2_9:
0x21d: {  	p0 =	slt.u32 s22, $0x2  }
0x21e: {  	s26 =	simm.s32 @!p0 $0x4  }
0x21f: {  	_ =	swait.ge @!p0 [sflag:s26], $0x4000  }
0x220: {  	s28 =	sshrl.u32 s25, $0x3;
	[sflag:s26] =	ssyncset.done @!p0 $0x0  }
0x221: {  	s25 =	simm.s32 $0x0;
	s2 =	sadd.s32 s4, s28;
	[sflag:s26] =	ssyncadd.s32 @!p0 $0xFFFFC000  }
0x222: {  	[tilespmem:s25], [sflag:$0x5] =	stream.linear.gather [hbm4b:s2+s25], $0x80, $0x38;
	[tilespmem:$0x10100] =	vst v63  }
0x223: {  	_ =	swait.ge [sflag:s14], $0x80  }
0x224: {  	[sflag:s14] =	ssyncset.done $0x0  }
0x225: {  	s31 =	sadd.s32 s28, s7;
	[sflag:s14] =	ssyncadd.s32 $0xFFFFFF80  }
0x226: {  	[tilespmem:s15], [sflag:$0x5] =	stream.linear.gather [hbm4b:s31+s25], $0x80, $0x38;
	[tilespmem:$0x10100] =	vst v63  }
0x227: {  	_ =	swait.ge [sflag:s14], $0x80  }
0x228: {  	[sflag:s14] =	ssyncset.done $0x0  }
0x229: {  	s29 =	simm.s32 $0x1;
	[sflag:s14] =	ssyncadd.s32 $0xFFFFFF80  }
0x22a: {  	s30 =	simm.s32 $0x0;
	s28 =	sshll.u32 s22, $0x1;
	s26 =	simm.s32 $0x0;
	v0 =	vld [tilespmem:s25+$0x0]  }
.LBB2_10:
0x22b: {  	p0 =	sne.s32 s29, $0xF;
	s31 =	sshrl.u32 s30, $0x3;
	s30 =	smov.u32 s29  }
0x22c: {  	s31 =	sadd.s32 s28, s31  }
0x22d: {  	s31 =	smul.u32 $0x9C40, s31;
	_ =	sdelay $0x1  }
0x22e: {  	v0 =	vadd.s32 s31, v0  }
.Ltmp12:
0x22f: {  	v1 =	vshll.u32 v0, $0x3;
	(pc) =	sbr.rel @p0 .LBB2_10-.Ltmp12, $4  }
0x230: {  	v0 =	vand.u32 $0x7F, v0;
	v1 =	vand.u32 $0xFFFFFC00, v1  }
0x231: {  	v0 =	vor.u32 v0, v1  }
0x232: {  	[tilespmem:s26+$0x0] =	vst v0;
	s26 =	sadd.s32 $0x10, s26  }
0x233: {  	s29 =	sadd.s32 $0x1, s29;
	v0 =	vld [tilespmem:s26+$0x0]  }
0x234: {  	s29 =	sshrl.u32 s30, $0x3  }
0x235: {  	s28 =	sadd.s32 s28, s29  }
0x236: {  	s28 =	smul.u32 $0x9C40, s28;
	_ =	sdelay $0x1  }
0x237: {  	v0 =	vadd.s32 s28, v0  }
0x238: {  	v1 =	vshll.u32 v0, $0x3  }
0x239: {  	v0 =	vand.u32 $0x7F, v0;
	v1 =	vand.u32 $0xFFFFFC00, v1  }
0x23a: {  	v0 =	vor.u32 v0, v1  }
0x23b: {  	[tilespmem:s26+$0x0] =	vst v0  }
0x23c: {  	v0 =	vld [tilespmem:$0x0]  }
0x23d: {  	s31 =	simm.s32 $0x0  }
0x23e: {  	s26 =	smul.u32 $0x7EF400, s31  }
0x23f: {  	s28 =	sand.u32 $0x380, s25  }
0x240: {  	s28 =	sor.u32 s28, s26  }
0x241: {  	s26 =	simm.s32 $0x4180;
	v0 =	vadd.s32 s28, v0  }
0x242: {  	[tilespmem:s26+$0xFFFFFF80] =	vst v0  }
0x243: {  	v0 =	vld [tilespmem:$0x10];
	_ =	sdelay $0x4  }
0x244: {  	v0 =	vadd.s32 s28, v0  }
0x245: {  	[tilespmem:s26+$0xFFFFFF90] =	vst v0  }
0x246: {  	v0 =	vld [tilespmem:$0x20];
	_ =	sdelay $0x4  }
0x247: {  	v0 =	vadd.s32 s28, v0  }
0x248: {  	[tilespmem:s26+$0xFFFFFFA0] =	vst v0  }
0x249: {  	v0 =	vld [tilespmem:$0x30];
	_ =	sdelay $0x4  }
0x24a: {  	v0 =	vadd.s32 s28, v0  }
0x24b: {  	[tilespmem:s26+$0xFFFFFFB0] =	vst v0  }
0x24c: {  	v0 =	vld [tilespmem:$0x40];
	_ =	sdelay $0x4  }
0x24d: {  	v0 =	vadd.s32 s28, v0  }
0x24e: {  	[tilespmem:s26+$0xFFFFFFC0] =	vst v0  }
0x24f: {  	v0 =	vld [tilespmem:$0x50];
	_ =	sdelay $0x4  }
0x250: {  	v0 =	vadd.s32 s28, v0  }
0x251: {  	[tilespmem:s26+$0xFFFFFFD0] =	vst v0  }
0x252: {  	v0 =	vld [tilespmem:$0x60];
	_ =	sdelay $0x4  }
0x253: {  	v0 =	vadd.s32 s28, v0  }
0x254: {  	[tilespmem:s26+$0xFFFFFFE0] =	vst v0  }
0x255: {  	v0 =	vld [tilespmem:$0x70];
	_ =	sdelay $0x4  }
0x256: {  	v0 =	vadd.s32 s28, v0  }
0x257: {  	[tilespmem:s26+$0xFFFFFFF0] =	vst v0  }
0x258: {  	v0 =	vld [tilespmem:$0x80];
	_ =	sdelay $0x4  }
0x259: {  	v0 =	vadd.s32 s28, v0  }
0x25a: {  	[tilespmem:s26+$0x0] =	vst v0  }
0x25b: {  	v0 =	vld [tilespmem:$0x90];
	_ =	sdelay $0x4  }
0x25c: {  	v0 =	vadd.s32 s28, v0  }
0x25d: {  	[tilespmem:s26+$0x10] =	vst v0  }
0x25e: {  	v0 =	vld [tilespmem:$0xA0];
	_ =	sdelay $0x4  }
0x25f: {  	v0 =	vadd.s32 s28, v0  }
0x260: {  	[tilespmem:s26+$0x20] =	vst v0  }
0x261: {  	v0 =	vld [tilespmem:$0xB0];
	_ =	sdelay $0x4  }
0x262: {  	v0 =	vadd.s32 s28, v0  }
0x263: {  	[tilespmem:s26+$0x30] =	vst v0  }
0x264: {  	v0 =	vld [tilespmem:$0xC0];
	_ =	sdelay $0x4  }
0x265: {  	v0 =	vadd.s32 s28, v0  }
0x266: {  	[tilespmem:s26+$0x40] =	vst v0  }
0x267: {  	v0 =	vld [tilespmem:$0xD0];
	_ =	sdelay $0x4  }
0x268: {  	v0 =	vadd.s32 s28, v0  }
0x269: {  	[tilespmem:s26+$0x50] =	vst v0  }
0x26a: {  	v0 =	vld [tilespmem:$0xE0];
	_ =	sdelay $0x4  }
0x26b: {  	v0 =	vadd.s32 s28, v0  }
0x26c: {  	[tilespmem:s26+$0x60] =	vst v0  }
0x26d: {  	v0 =	vld [tilespmem:$0xF0];
	_ =	sdelay $0x4  }
0x26e: {  	v0 =	vadd.s32 s28, v0  }
0x26f: {  	[tilespmem:s26+$0x70] =	vst v0  }
0x270: {  	s29 =	simm.s32 $0x2;
	s28 =	simm.s32 $0x1;
	v0 =	vld [tilespmem:$0x0]  }
.LBB2_12:
0x271: {  	p0 =	sne.s32 s29, $0x3F;
	s30 =	sshrl.u32 s28, $0x3;
	s28 =	smov.u32 s29  }
0x272: {  	s25 =	sadd.s32 $0x80, s25;
	s30 =	smul.u32 $0x7EF400, s30  }
0x273: {  	s31 =	sand.u32 $0x380, s25  }
0x274: {  	s30 =	sor.u32 s31, s30  }
0x275: {  	s26 =	sadd.s32 $0x100, s26;
	v0 =	vadd.s32 s30, v0  }
0x276: {  	[tilespmem:s26+$0xFFFFFF80] =	vst v0  }
0x277: {  	v0 =	vld [tilespmem:$0x10];
	_ =	sdelay $0x4  }
0x278: {  	v0 =	vadd.s32 s30, v0  }
0x279: {  	[tilespmem:s26+$0xFFFFFF90] =	vst v0  }
0x27a: {  	v0 =	vld [tilespmem:$0x20];
	_ =	sdelay $0x4  }
0x27b: {  	v0 =	vadd.s32 s30, v0  }
0x27c: {  	[tilespmem:s26+$0xFFFFFFA0] =	vst v0  }
0x27d: {  	v0 =	vld [tilespmem:$0x30];
	_ =	sdelay $0x4  }
0x27e: {  	v0 =	vadd.s32 s30, v0  }
0x27f: {  	[tilespmem:s26+$0xFFFFFFB0] =	vst v0  }
0x280: {  	v0 =	vld [tilespmem:$0x40];
	_ =	sdelay $0x4  }
0x281: {  	v0 =	vadd.s32 s30, v0  }
0x282: {  	[tilespmem:s26+$0xFFFFFFC0] =	vst v0  }
0x283: {  	v0 =	vld [tilespmem:$0x50];
	_ =	sdelay $0x4  }
0x284: {  	v0 =	vadd.s32 s30, v0  }
0x285: {  	[tilespmem:s26+$0xFFFFFFD0] =	vst v0  }
0x286: {  	v0 =	vld [tilespmem:$0x60];
	_ =	sdelay $0x4  }
0x287: {  	v0 =	vadd.s32 s30, v0  }
0x288: {  	[tilespmem:s26+$0xFFFFFFE0] =	vst v0  }
0x289: {  	v0 =	vld [tilespmem:$0x70];
	_ =	sdelay $0x4  }
0x28a: {  	v0 =	vadd.s32 s30, v0  }
0x28b: {  	[tilespmem:s26+$0xFFFFFFF0] =	vst v0  }
0x28c: {  	v0 =	vld [tilespmem:$0x80];
	_ =	sdelay $0x4  }
0x28d: {  	v0 =	vadd.s32 s30, v0  }
0x28e: {  	[tilespmem:s26+$0x0] =	vst v0  }
0x28f: {  	v0 =	vld [tilespmem:$0x90];
	_ =	sdelay $0x4  }
0x290: {  	v0 =	vadd.s32 s30, v0  }
0x291: {  	[tilespmem:s26+$0x10] =	vst v0  }
0x292: {  	v0 =	vld [tilespmem:$0xA0];
	_ =	sdelay $0x4  }
0x293: {  	v0 =	vadd.s32 s30, v0  }
0x294: {  	[tilespmem:s26+$0x20] =	vst v0  }
0x295: {  	v0 =	vld [tilespmem:$0xB0];
	_ =	sdelay $0x4  }
0x296: {  	v0 =	vadd.s32 s30, v0  }
0x297: {  	[tilespmem:s26+$0x30] =	vst v0  }
0x298: {  	v0 =	vld [tilespmem:$0xC0];
	_ =	sdelay $0x4  }
0x299: {  	v0 =	vadd.s32 s30, v0  }
0x29a: {  	[tilespmem:s26+$0x40] =	vst v0  }
0x29b: {  	v0 =	vld [tilespmem:$0xD0];
	_ =	sdelay $0x4  }
0x29c: {  	v0 =	vadd.s32 s30, v0  }
0x29d: {  	[tilespmem:s26+$0x50] =	vst v0  }
0x29e: {  	v0 =	vld [tilespmem:$0xE0];
	_ =	sdelay $0x4  }
0x29f: {  	v0 =	vadd.s32 s30, v0  }
0x2a0: {  	[tilespmem:s26+$0x60] =	vst v0  }
0x2a1: {  	v0 =	vld [tilespmem:$0xF0];
	_ =	sdelay $0x2  }
.Ltmp13:
0x2a2: {  	(pc) =	sbr.rel @p0 .LBB2_12-.Ltmp13, $4  }
0x2a3: {  	_ = 	snop  }
0x2a4: {  	v0 =	vadd.s32 s30, v0  }
0x2a5: {  	[tilespmem:s26+$0x70] =	vst v0  }
0x2a6: {  	s29 =	sadd.s32 $0x1, s29;
	v0 =	vld [tilespmem:$0x0]  }
0x2a7: {  	s28 =	sshrl.u32 s28, $0x3  }
0x2a8: {  	s25 =	sadd.s32 $0x80, s25;
	s28 =	smul.u32 $0x7EF400, s28  }
0x2a9: {  	s25 =	sand.u32 $0x380, s25  }
0x2aa: {  	s25 =	sor.u32 s25, s28  }
0x2ab: {  	s26 =	sadd.s32 $0x100, s26;
	v0 =	vadd.s32 s25, v0  }
0x2ac: {  	[tilespmem:s26+$0xFFFFFF80] =	vst v0  }
0x2ad: {  	v0 =	vld [tilespmem:$0x10];
	_ =	sdelay $0x4  }
0x2ae: {  	v0 =	vadd.s32 s25, v0  }
0x2af: {  	[tilespmem:s26+$0xFFFFFF90] =	vst v0  }
0x2b0: {  	v0 =	vld [tilespmem:$0x20];
	_ =	sdelay $0x4  }
0x2b1: {  	v0 =	vadd.s32 s25, v0  }
0x2b2: {  	[tilespmem:s26+$0xFFFFFFA0] =	vst v0  }
0x2b3: {  	v0 =	vld [tilespmem:$0x30];
	_ =	sdelay $0x4  }
0x2b4: {  	v0 =	vadd.s32 s25, v0  }
0x2b5: {  	[tilespmem:s26+$0xFFFFFFB0] =	vst v0  }
0x2b6: {  	v0 =	vld [tilespmem:$0x40];
	_ =	sdelay $0x4  }
0x2b7: {  	v0 =	vadd.s32 s25, v0  }
0x2b8: {  	[tilespmem:s26+$0xFFFFFFC0] =	vst v0  }
0x2b9: {  	v0 =	vld [tilespmem:$0x50];
	_ =	sdelay $0x4  }
0x2ba: {  	v0 =	vadd.s32 s25, v0  }
0x2bb: {  	[tilespmem:s26+$0xFFFFFFD0] =	vst v0  }
0x2bc: {  	v0 =	vld [tilespmem:$0x60];
	_ =	sdelay $0x4  }
0x2bd: {  	v0 =	vadd.s32 s25, v0  }
0x2be: {  	[tilespmem:s26+$0xFFFFFFE0] =	vst v0  }
0x2bf: {  	v0 =	vld [tilespmem:$0x70];
	_ =	sdelay $0x4  }
0x2c0: {  	v0 =	vadd.s32 s25, v0  }
0x2c1: {  	[tilespmem:s26+$0xFFFFFFF0] =	vst v0  }
0x2c2: {  	v0 =	vld [tilespmem:$0x80];
	_ =	sdelay $0x4  }
0x2c3: {  	v0 =	vadd.s32 s25, v0  }
0x2c4: {  	[tilespmem:s26+$0x0] =	vst v0  }
0x2c5: {  	v0 =	vld [tilespmem:$0x90];
	_ =	sdelay $0x4  }
0x2c6: {  	v0 =	vadd.s32 s25, v0  }
0x2c7: {  	[tilespmem:s26+$0x10] =	vst v0  }
0x2c8: {  	v0 =	vld [tilespmem:$0xA0];
	_ =	sdelay $0x4  }
0x2c9: {  	v0 =	vadd.s32 s25, v0  }
0x2ca: {  	[tilespmem:s26+$0x20] =	vst v0  }
0x2cb: {  	v0 =	vld [tilespmem:$0xB0];
	_ =	sdelay $0x4  }
0x2cc: {  	v0 =	vadd.s32 s25, v0  }
0x2cd: {  	[tilespmem:s26+$0x30] =	vst v0  }
0x2ce: {  	v0 =	vld [tilespmem:$0xC0];
	_ =	sdelay $0x4  }
0x2cf: {  	v0 =	vadd.s32 s25, v0  }
0x2d0: {  	[tilespmem:s26+$0x40] =	vst v0  }
0x2d1: {  	v0 =	vld [tilespmem:$0xD0];
	_ =	sdelay $0x4  }
0x2d2: {  	v0 =	vadd.s32 s25, v0  }
0x2d3: {  	[tilespmem:s26+$0x50] =	vst v0  }
0x2d4: {  	v0 =	vld [tilespmem:$0xE0];
	_ =	sdelay $0x4  }
0x2d5: {  	v0 =	vadd.s32 s25, v0  }
0x2d6: {  	[tilespmem:s26+$0x60] =	vst v0  }
0x2d7: {  	v0 =	vld [tilespmem:$0xF0];
	_ =	sdelay $0x1  }
0x2d8: {  	s28 =	simm.s32 $0x0  }
0x2d9: {  	s29 =	sand.u32 $0xE000, s28  }
0x2da: {  	s28 =	sand.u32 $0x700, s28;
	s29 =	sshrl.u32 s29, $0x2  }
0x2db: {  	s28 =	sor.u32 s28, s29;
	s29 =	simm.s32 $0x4100;
	v0 =	vadd.s32 s25, v0  }
0x2dc: {  	s28 =	sadd.s32 $0xC100, s28;
	s25 =	simm.s32 $0x400;
	[tilespmem:s26+$0x70] =	vst v0;
	s26 =	simm.s32 $0x100  }
.LBB2_14:
0x2dd: {  	[tilespmem:s28], [sflag:$0x2] =	stream.indirect.gather [hbm4b:s1+s16], $0x1, s29, s16, $0xb8;
	[tilespmem:$0x10100] =	vst v63  }
0x2de: {  	s28 =	smov.u32 s25;
	p0 =	sne.s32 s25, $0xFC00  }
.Ltmp14:
0x2df: {  	s25 =	sadd.s32 $0x400, s25;
	(pc) =	sbr.rel @p0 .LBB2_14-.Ltmp14, $4  }
0x2e0: {  	s29 =	sand.u32 $0xE000, s28  }
0x2e1: {  	s30 =	sand.u32 $0x700, s26;
	s29 =	sshrl.u32 s29, $0x2  }
0x2e2: {  	s29 =	sor.u32 s30, s29;
	s30 =	sshra.s32 s28, $0x2  }
0x2e3: {  	s26 =	sadd.s32 $0x100, s26;
	s28 =	sadd.s32 $0xC100, s29;
	s29 =	sadd.s32 $0x4100, s30  }
0x2e4: {  	[tilespmem:s28], [sflag:$0x2] =	stream.indirect.gather [hbm4b:s1+s16], $0x1, s29, s16, $0xb8;
	[tilespmem:$0x10100] =	vst v63  }
0x2e5: {  	_ =	swait.ge [sflag:s19], $0x4000  }
0x2e6: {  	[sflag:s19] =	ssyncset.done $0x0  }
0x2e7: {  	s25 =	simm.s32 $0x0;
	s26 =	simm.s32 $0x8100;
	[sflag:s19] =	ssyncadd.s32 $0xFFFFC000  }
0x2e8: {  	[hbm4b:s24+s25] =	stream.linear.scatter [tilespmem:s26], [sflag:$0x3], $0x80, $0x38;
	[tilespmem:$0x10100] =	vst v63  }
0x2e9: {  	s0 =	simm.s32 $0x8200;
	s28 =	sadd.s32 $0x10, s24  }
0x2ea: {  	[hbm4b:s28+s25] =	stream.linear.scatter [tilespmem:s0], [sflag:$0x3], $0x80, $0x38;
	[tilespmem:$0x10100] =	vst v63  }
0x2eb: {  	s2 =	simm.s32 $0x8300;
	s28 =	sadd.s32 $0x20, s24  }
0x2ec: {  	[hbm4b:s28+s25] =	stream.linear.scatter [tilespmem:s2], [sflag:$0x3], $0x80, $0x38;
	[tilespmem:$0x10100] =	vst v63  }
0x2ed: {  	s0 =	simm.s32 $0x8400;
	s28 =	sadd.s32 $0x30, s24  }
0x2ee: {  	[hbm4b:s28+s25] =	stream.linear.scatter [tilespmem:s0], [sflag:$0x3], $0x80, $0x38;
	[tilespmem:$0x10100] =	vst v63  }
0x2ef: {  	s2 =	simm.s32 $0x8500;
	s28 =	sadd.s32 $0x40, s24  }
0x2f0: {  	[hbm4b:s28+s25] =	stream.linear.scatter [tilespmem:s2], [sflag:$0x3], $0x80, $0x38;
	[tilespmem:$0x10100] =	vst v63  }
0x2f1: {  	s29 =	simm.s32 $0x4000;
	s0 =	simm.s32 $0x8600;
	s28 =	sadd.s32 $0x50, s24  }
0x2f2: {  	[hbm4b:s28+s25] =	stream.linear.scatter [tilespmem:s0], [sflag:$0x3], $0x80, $0x38;
	[tilespmem:$0x10100] =	vst v63  }
0x2f3: {  	s30 =	simm.s32 $0x8800;
	s2 =	simm.s32 $0x8700;
	s28 =	sadd.s32 $0x60, s24  }
0x2f4: {  	[hbm4b:s28+s25] =	stream.linear.scatter [tilespmem:s2], [sflag:$0x3], $0x80, $0x38;
	[tilespmem:$0x10100] =	vst v63  }
0x2f5: {  	s31 =	sadd.s32 $0x70, s24;
	s26 =	simm.s32 $0x800;
	s28 =	sadd.s32 $0x1000, s24  }
.LBB2_16:
0x2f6: {  	[hbm4b:s31+s25] =	stream.linear.scatter [tilespmem:s30], [sflag:$0x3], $0x80, $0x38;
	[tilespmem:$0x10100] =	vst v63  }
0x2f7: {  	s30 =	smov.u32 s26;
	s26 =	smov.u32 s29  }
0x2f8: {  	s0 =	sadd.s32 $0x2000, s29;
	s26 =	sshra.s32 s26, $0x2;
	s31 =	sadd.s32 $0x8100, s30  }
0x2f9: {  	[hbm4b:s28+s25] =	stream.linear.scatter [tilespmem:s31], [sflag:$0x3], $0x80, $0x38;
	[tilespmem:$0x10100] =	vst v63  }
0x2fa: {  	p0 =	sne.s32 s29, $0xE000;
	s29 =	sadd.s32 $0x8200, s30;
	s31 =	sadd.s32 $0x10, s28  }
0x2fb: {  	[hbm4b:s31+s25] =	stream.linear.scatter [tilespmem:s29], [sflag:$0x3], $0x80, $0x38;
	[tilespmem:$0x10100] =	vst v63  }
0x2fc: {  	s29 =	sadd.s32 $0x8300, s30;
	s31 =	sadd.s32 $0x20, s28  }
0x2fd: {  	[hbm4b:s31+s25] =	stream.linear.scatter [tilespmem:s29], [sflag:$0x3], $0x80, $0x38;
	[tilespmem:$0x10100] =	vst v63  }
0x2fe: {  	s29 =	sadd.s32 $0x8400, s30;
	s31 =	sadd.s32 $0x30, s28  }
0x2ff: {  	[hbm4b:s31+s25] =	stream.linear.scatter [tilespmem:s29], [sflag:$0x3], $0x80, $0x38;
	[tilespmem:$0x10100] =	vst v63  }
0x300: {  	s29 =	sadd.s32 $0x8500, s30;
	s31 =	sadd.s32 $0x40, s28  }
0x301: {  	[hbm4b:s31+s25] =	stream.linear.scatter [tilespmem:s29], [sflag:$0x3], $0x80, $0x38;
	[tilespmem:$0x10100] =	vst v63  }
.Ltmp15:
0x302: {  	s29 =	sadd.s32 $0x8600, s30;
	s31 =	sadd.s32 $0x50, s28;
	(pc) =	sbr.rel @p0 .LBB2_16-.Ltmp15, $4  }
0x303: {  	[hbm4b:s31+s25] =	stream.linear.scatter [tilespmem:s29], [sflag:$0x3], $0x80, $0x38;
	[tilespmem:$0x10100] =	vst v63  }
0x304: {  	s29 =	sadd.s32 $0x8700, s30;
	s31 =	sadd.s32 $0x60, s28;
	s30 =	sadd.s32 $0x8800, s30  }
0x305: {  	[hbm4b:s31+s25] =	stream.linear.scatter [tilespmem:s29], [sflag:$0x3], $0x80, $0x38;
	[tilespmem:$0x10100] =	vst v63  }
0x306: {  	s31 =	sadd.s32 $0x70, s28;
	s28 =	sadd.s32 $0x1000, s28;
	s29 =	smov.u32 s0  }
0x307: {  	[hbm4b:s31+s25] =	stream.linear.scatter [tilespmem:s30], [sflag:$0x3], $0x80, $0x38;
	[tilespmem:$0x10100] =	vst v63  }
0x308: {  	s0 =	sadd.s32 $0x8100, s26  }
0x309: {  	[hbm4b:s28+s25] =	stream.linear.scatter [tilespmem:s0], [sflag:$0x3], $0x80, $0x38;
	[tilespmem:$0x10100] =	vst v63  }
0x30a: {  	s31 =	sadd.s32 $0x8200, s26;
	s29 =	sadd.s32 $0x10, s28  }
0x30b: {  	[hbm4b:s29+s25] =	stream.linear.scatter [tilespmem:s31], [sflag:$0x3], $0x80, $0x38;
	[tilespmem:$0x10100] =	vst v63  }
0x30c: {  	s2 =	sadd.s32 $0x8300, s26;
	s29 =	sadd.s32 $0x20, s28  }
0x30d: {  	[hbm4b:s29+s25] =	stream.linear.scatter [tilespmem:s2], [sflag:$0x3], $0x80, $0x38;
	[tilespmem:$0x10100] =	vst v63  }
0x30e: {  	s31 =	sadd.s32 $0x8400, s26;
	s29 =	sadd.s32 $0x30, s28  }
0x30f: {  	[hbm4b:s29+s25] =	stream.linear.scatter [tilespmem:s31], [sflag:$0x3], $0x80, $0x38;
	[tilespmem:$0x10100] =	vst v63  }
0x310: {  	s2 =	sadd.s32 $0x8500, s26;
	s29 =	sadd.s32 $0x40, s28  }
0x311: {  	[hbm4b:s29+s25] =	stream.linear.scatter [tilespmem:s2], [sflag:$0x3], $0x80, $0x38;
	[tilespmem:$0x10100] =	vst v63  }
0x312: {  	s31 =	sadd.s32 $0x8600, s26;
	s29 =	sadd.s32 $0x50, s28  }
0x313: {  	[hbm4b:s29+s25] =	stream.linear.scatter [tilespmem:s31], [sflag:$0x3], $0x80, $0x38;
	[tilespmem:$0x10100] =	vst v63  }
0x314: {  	s2 =	sadd.s32 $0x8700, s26;
	s29 =	sadd.s32 $0x60, s28  }
0x315: {  	[hbm4b:s29+s25] =	stream.linear.scatter [tilespmem:s2], [sflag:$0x3], $0x80, $0x38;
	[tilespmem:$0x10100] =	vst v63  }
0x316: {  	s31 =	sadd.s32 $0x8800, s26;
	s2 =	sadd.s32 $0x70, s28  }
0x317: {  	[hbm4b:s2+s25] =	stream.linear.scatter [tilespmem:s31], [sflag:$0x3], $0x80, $0x38;
	[tilespmem:$0x10100] =	vst v63  }
0x318: {  	s26 =	simm.s32 $0x8180  }
0x319: {  	[hbm4b:s23+s3] =	stream.linear.scatter [tilespmem:s26], [sflag:$0x3], $0x80, $0x38;
	[tilespmem:$0x10100] =	vst v63  }
0x31a: {  	s31 =	simm.s32 $0x8280;
	s2 =	sadd.s32 $0x10, s23  }
0x31b: {  	[hbm4b:s2+s3] =	stream.linear.scatter [tilespmem:s31], [sflag:$0x3], $0x80, $0x38;
	[tilespmem:$0x10100] =	vst v63  }
0x31c: {  	s25 =	simm.s32 $0x8380;
	s26 =	sadd.s32 $0x20, s23  }
0x31d: {  	[hbm4b:s26+s3] =	stream.linear.scatter [tilespmem:s25], [sflag:$0x3], $0x80, $0x38;
	[tilespmem:$0x10100] =	vst v63  }
0x31e: {  	s31 =	simm.s32 $0x8480;
	s2 =	sadd.s32 $0x30, s23  }
0x31f: {  	[hbm4b:s2+s3] =	stream.linear.scatter [tilespmem:s31], [sflag:$0x3], $0x80, $0x38;
	[tilespmem:$0x10100] =	vst v63  }
0x320: {  	s25 =	simm.s32 $0x8580;
	s26 =	sadd.s32 $0x40, s23  }
0x321: {  	[hbm4b:s26+s3] =	stream.linear.scatter [tilespmem:s25], [sflag:$0x3], $0x80, $0x38;
	[tilespmem:$0x10100] =	vst v63  }
0x322: {  	s30 =	sadd.s32 $0x70, s23;
	s31 =	simm.s32 $0x8680;
	s2 =	sadd.s32 $0x50, s23  }
0x323: {  	[hbm4b:s2+s3] =	stream.linear.scatter [tilespmem:s31], [sflag:$0x3], $0x80, $0x38;
	[tilespmem:$0x10100] =	vst v63  }
0x324: {  	s28 =	simm.s32 $0x4000;
	s26 =	simm.s32 $0x8780;
	s31 =	sadd.s32 $0x60, s23  }
0x325: {  	[hbm4b:s31+s3] =	stream.linear.scatter [tilespmem:s26], [sflag:$0x3], $0x80, $0x38;
	[tilespmem:$0x10100] =	vst v63  }
0x326: {  	s29 =	simm.s32 $0x8880;
	s25 =	simm.s32 $0x800;
	s26 =	sadd.s32 $0x1000, s23  }
.LBB2_18:
0x327: {  	[hbm4b:s30+s3] =	stream.linear.scatter [tilespmem:s29], [sflag:$0x3], $0x80, $0x38;
	[tilespmem:$0x10100] =	vst v63  }
0x328: {  	s0 =	smov.u32 s25;
	s25 =	smov.u32 s28  }
0x329: {  	s31 =	sadd.s32 $0x2000, s28;
	s25 =	sshra.s32 s25, $0x2;
	s29 =	sadd.s32 $0x8180, s0  }
0x32a: {  	[hbm4b:s26+s3] =	stream.linear.scatter [tilespmem:s29], [sflag:$0x3], $0x80, $0x38;
	[tilespmem:$0x10100] =	vst v63  }
0x32b: {  	p0 =	seq.s32 s28, $0xE000;
	s28 =	sadd.s32 $0x8280, s0;
	s29 =	sadd.s32 $0x10, s26  }
0x32c: {  	[hbm4b:s29+s3] =	stream.linear.scatter [tilespmem:s28], [sflag:$0x3], $0x80, $0x38;
	[tilespmem:$0x10100] =	vst v63  }
0x32d: {  	s28 =	sadd.s32 $0x8380, s0;
	s29 =	sadd.s32 $0x20, s26  }
0x32e: {  	[hbm4b:s29+s3] =	stream.linear.scatter [tilespmem:s28], [sflag:$0x3], $0x80, $0x38;
	[tilespmem:$0x10100] =	vst v63  }
0x32f: {  	s28 =	sadd.s32 $0x8480, s0;
	s29 =	sadd.s32 $0x30, s26  }
0x330: {  	[hbm4b:s29+s3] =	stream.linear.scatter [tilespmem:s28], [sflag:$0x3], $0x80, $0x38;
	[tilespmem:$0x10100] =	vst v63  }
0x331: {  	s28 =	sadd.s32 $0x8580, s0;
	s29 =	sadd.s32 $0x40, s26  }
0x332: {  	[hbm4b:s29+s3] =	stream.linear.scatter [tilespmem:s28], [sflag:$0x3], $0x80, $0x38;
	[tilespmem:$0x10100] =	vst v63  }
.Ltmp16:
0x333: {  	s28 =	sadd.s32 $0x8680, s0;
	s29 =	sadd.s32 $0x50, s26;
	(pc) =	sbr.rel @!p0 .LBB2_18-.Ltmp16, $4  }
0x334: {  	[hbm4b:s29+s3] =	stream.linear.scatter [tilespmem:s28], [sflag:$0x3], $0x80, $0x38;
	[tilespmem:$0x10100] =	vst v63  }
0x335: {  	s30 =	sadd.s32 $0x70, s26;
	s28 =	sadd.s32 $0x8780, s0;
	s29 =	sadd.s32 $0x60, s26  }
0x336: {  	[hbm4b:s29+s3] =	stream.linear.scatter [tilespmem:s28], [sflag:$0x3], $0x80, $0x38;
	[tilespmem:$0x10100] =	vst v63  }
0x337: {  	s26 =	sadd.s32 $0x1000, s26;
	s29 =	sadd.s32 $0x8880, s0;
	s28 =	smov.u32 s31  }
.Ltmp17:
0x338: {  	_ = 	snop;
	(pc) =	sbr.rel .LBB2_19-.Ltmp17, $1  }
0x339: {  	_ =	sdelay $0x3  }
.LBB2_32:
0x33a: {  	_ =	swait.ge [sflag:s19], $0x4000  }
0x33b: {  	[sflag:s19] =	ssyncset.done $0x0  }
0x33c: {  	s22 =	simm.s32 $0x0;
	s0 =	simm.s32 $0x8100;
	[sflag:s19] =	ssyncadd.s32 $0xFFFFC000  }
0x33d: {  	[hbm4b:s12+s22] =	stream.linear.scatter [tilespmem:s0], [sflag:$0x3], $0x80, $0x38;
	[tilespmem:$0x10100] =	vst v63  }
0x33e: {  	s29 =	simm.s32 $0x8200;
	s2 =	sadd.s32 $0x10, s12  }
0x33f: {  	[hbm4b:s2+s22] =	stream.linear.scatter [tilespmem:s29], [sflag:$0x3], $0x80, $0x38;
	[tilespmem:$0x10100] =	vst v63  }
0x340: {  	s30 =	simm.s32 $0x8300;
	s31 =	sadd.s32 $0x20, s12;
	s23 =	sadd.s32 $0x30, s12  }
0x341: {  	[hbm4b:s31+s22] =	stream.linear.scatter [tilespmem:s30], [sflag:$0x3], $0x80, $0x38;
	[tilespmem:$0x10100] =	vst v63  }
0x342: {  	s24 =	simm.s32 $0x8500;
	s25 =	sadd.s32 $0x40, s12;
	s2 =	simm.s32 $0x8400  }
0x343: {  	[hbm4b:s23+s22] =	stream.linear.scatter [tilespmem:s2], [sflag:$0x3], $0x80, $0x38;
	[tilespmem:$0x10100] =	vst v63  }
0x344: {  	s26 =	simm.s32 $0x8600;
	s28 =	sadd.s32 $0x70, s12;
	s29 =	sadd.s32 $0x50, s12  }
0x345: {  	[hbm4b:s25+s22] =	stream.linear.scatter [tilespmem:s24], [sflag:$0x3], $0x80, $0x38;
	[tilespmem:$0x10100] =	vst v63  }
0x346: {  	s30 =	simm.s32 $0x8700;
	s31 =	sadd.s32 $0x60, s12;
	s23 =	simm.s32 $0x800  }
0x347: {  	[hbm4b:s29+s22] =	stream.linear.scatter [tilespmem:s26], [sflag:$0x3], $0x80, $0x38;
	[tilespmem:$0x10100] =	vst v63  }
0x348: {  	s25 =	simm.s32 $0x4000;
	s24 =	sadd.s32 $0x1000, s12;
	s26 =	simm.s32 $0x8800  }
0x349: {  	[hbm4b:s31+s22] =	stream.linear.scatter [tilespmem:s30], [sflag:$0x3], $0x80, $0x38;
	[tilespmem:$0x10100] =	vst v63  }
.LBB2_33:
0x34a: {  	[hbm4b:s28+s22] =	stream.linear.scatter [tilespmem:s26], [sflag:$0x3], $0x80, $0x38;
	[tilespmem:$0x10100] =	vst v63  }
0x34b: {  	s0 =	smov.u32 s23;
	s2 =	smov.u32 s25  }
0x34c: {  	s23 =	sshra.s32 s2, $0x2;
	s2 =	sadd.s32 $0x2000, s25;
	s26 =	sadd.s32 $0x8100, s0  }
0x34d: {  	[hbm4b:s24+s22] =	stream.linear.scatter [tilespmem:s26], [sflag:$0x3], $0x80, $0x38;
	[tilespmem:$0x10100] =	vst v63  }
0x34e: {  	p0 =	sne.s32 s25, $0xE000;
	s25 =	sadd.s32 $0x8200, s0;
	s26 =	sadd.s32 $0x10, s24  }
0x34f: {  	[hbm4b:s26+s22] =	stream.linear.scatter [tilespmem:s25], [sflag:$0x3], $0x80, $0x38;
	[tilespmem:$0x10100] =	vst v63  }
0x350: {  	s25 =	sadd.s32 $0x8300, s0;
	s26 =	sadd.s32 $0x20, s24  }
0x351: {  	[hbm4b:s26+s22] =	stream.linear.scatter [tilespmem:s25], [sflag:$0x3], $0x80, $0x38;
	[tilespmem:$0x10100] =	vst v63  }
0x352: {  	s25 =	sadd.s32 $0x8400, s0;
	s26 =	sadd.s32 $0x30, s24  }
0x353: {  	[hbm4b:s26+s22] =	stream.linear.scatter [tilespmem:s25], [sflag:$0x3], $0x80, $0x38;
	[tilespmem:$0x10100] =	vst v63  }
0x354: {  	s25 =	sadd.s32 $0x8500, s0;
	s26 =	sadd.s32 $0x40, s24  }
0x355: {  	[hbm4b:s26+s22] =	stream.linear.scatter [tilespmem:s25], [sflag:$0x3], $0x80, $0x38;
	[tilespmem:$0x10100] =	vst v63  }
.Ltmp18:
0x356: {  	s25 =	sadd.s32 $0x8600, s0;
	s26 =	sadd.s32 $0x50, s24;
	(pc) =	sbr.rel @p0 .LBB2_33-.Ltmp18, $4  }
0x357: {  	[hbm4b:s26+s22] =	stream.linear.scatter [tilespmem:s25], [sflag:$0x3], $0x80, $0x38;
	[tilespmem:$0x10100] =	vst v63  }
0x358: {  	s28 =	sadd.s32 $0x70, s24;
	s25 =	sadd.s32 $0x8700, s0;
	s26 =	sadd.s32 $0x60, s24  }
0x359: {  	[hbm4b:s26+s22] =	stream.linear.scatter [tilespmem:s25], [sflag:$0x3], $0x80, $0x38;
	[tilespmem:$0x10100] =	vst v63  }
0x35a: {  	s24 =	sadd.s32 $0x1000, s24;
	s26 =	sadd.s32 $0x8800, s0;
	s25 =	smov.u32 s2  }
0x35b: {  	[hbm4b:s28+s22] =	stream.linear.scatter [tilespmem:s26], [sflag:$0x3], $0x80, $0x38;
	[tilespmem:$0x10100] =	vst v63  }
0x35c: {  	s0 =	sadd.s32 $0x8100, s23  }
0x35d: {  	[hbm4b:s24+s22] =	stream.linear.scatter [tilespmem:s0], [sflag:$0x3], $0x80, $0x38;
	[tilespmem:$0x10100] =	vst v63  }
0x35e: {  	s29 =	sadd.s32 $0x8200, s23;
	s2 =	sadd.s32 $0x10, s24  }
0x35f: {  	[hbm4b:s2+s22] =	stream.linear.scatter [tilespmem:s29], [sflag:$0x3], $0x80, $0x38;
	[tilespmem:$0x10100] =	vst v63  }
0x360: {  	s30 =	sadd.s32 $0x8300, s23;
	s31 =	sadd.s32 $0x20, s24  }
0x361: {  	[hbm4b:s31+s22] =	stream.linear.scatter [tilespmem:s30], [sflag:$0x3], $0x80, $0x38;
	[tilespmem:$0x10100] =	vst v63  }
0x362: {  	s25 =	sadd.s32 $0x8400, s23;
	s26 =	sadd.s32 $0x30, s24  }
0x363: {  	[hbm4b:s26+s22] =	stream.linear.scatter [tilespmem:s25], [sflag:$0x3], $0x80, $0x38;
	[tilespmem:$0x10100] =	vst v63  }
0x364: {  	s28 =	sadd.s32 $0x8500, s23;
	s29 =	sadd.s32 $0x40, s24  }
0x365: {  	[hbm4b:s29+s22] =	stream.linear.scatter [tilespmem:s28], [sflag:$0x3], $0x80, $0x38;
	[tilespmem:$0x10100] =	vst v63  }
0x366: {  	s30 =	sadd.s32 $0x8600, s23;
	s31 =	sadd.s32 $0x50, s24  }
0x367: {  	[hbm4b:s31+s22] =	stream.linear.scatter [tilespmem:s30], [sflag:$0x3], $0x80, $0x38;
	[tilespmem:$0x10100] =	vst v63  }
0x368: {  	s2 =	sadd.s32 $0x8700, s23;
	s25 =	sadd.s32 $0x60, s24  }
0x369: {  	[hbm4b:s25+s22] =	stream.linear.scatter [tilespmem:s2], [sflag:$0x3], $0x80, $0x38;
	[tilespmem:$0x10100] =	vst v63  }
0x36a: {  	s26 =	sadd.s32 $0x8800, s23;
	s28 =	sadd.s32 $0x70, s24  }
0x36b: {  	[hbm4b:s28+s22] =	stream.linear.scatter [tilespmem:s26], [sflag:$0x3], $0x80, $0x38;
	[tilespmem:$0x10100] =	vst v63  }
0x36c: {  	s29 =	simm.s32 $0x8180  }
0x36d: {  	[hbm4b:s13+s3] =	stream.linear.scatter [tilespmem:s29], [sflag:$0x3], $0x80, $0x38;
	[tilespmem:$0x10100] =	vst v63  }
0x36e: {  	s30 =	simm.s32 $0x8280;
	s31 =	sadd.s32 $0x10, s13  }
0x36f: {  	[hbm4b:s31+s3] =	stream.linear.scatter [tilespmem:s30], [sflag:$0x3], $0x80, $0x38;
	[tilespmem:$0x10100] =	vst v63  }
0x370: {  	s23 =	simm.s32 $0x8480;
	s2 =	simm.s32 $0x8380;
	s22 =	sadd.s32 $0x20, s13  }
0x371: {  	[hbm4b:s22+s3] =	stream.linear.scatter [tilespmem:s2], [sflag:$0x3], $0x80, $0x38;
	[tilespmem:$0x10100] =	vst v63  }
0x372: {  	s24 =	sadd.s32 $0x30, s13;
	s25 =	simm.s32 $0x8580;
	s26 =	sadd.s32 $0x40, s13  }
0x373: {  	[hbm4b:s24+s3] =	stream.linear.scatter [tilespmem:s23], [sflag:$0x3], $0x80, $0x38;
	[tilespmem:$0x10100] =	vst v63  }
0x374: {  	s28 =	simm.s32 $0x8680;
	s29 =	sadd.s32 $0x50, s13;
	s30 =	simm.s32 $0x8780  }
0x375: {  	[hbm4b:s26+s3] =	stream.linear.scatter [tilespmem:s25], [sflag:$0x3], $0x80, $0x38;
	[tilespmem:$0x10100] =	vst v63  }
0x376: {  	s31 =	sadd.s32 $0x60, s13;
	s22 =	simm.s32 $0x800;
	s24 =	simm.s32 $0x4000  }
0x377: {  	[hbm4b:s29+s3] =	stream.linear.scatter [tilespmem:s28], [sflag:$0x3], $0x80, $0x38;
	[tilespmem:$0x10100] =	vst v63  }
0x378: {  	s23 =	sadd.s32 $0x1000, s13;
	s25 =	simm.s32 $0x8880;
	s26 =	sadd.s32 $0x70, s13  }
0x379: {  	[hbm4b:s31+s3] =	stream.linear.scatter [tilespmem:s30], [sflag:$0x3], $0x80, $0x38;
	[tilespmem:$0x10100] =	vst v63  }
.LBB2_35:
0x37a: {  	[hbm4b:s26+s3] =	stream.linear.scatter [tilespmem:s25], [sflag:$0x3], $0x80, $0x38;
	[tilespmem:$0x10100] =	vst v63  }
0x37b: {  	s0 =	smov.u32 s22;
	s2 =	smov.u32 s24  }
0x37c: {  	s22 =	sshra.s32 s2, $0x2;
	s2 =	sadd.s32 $0x2000, s24;
	s25 =	sadd.s32 $0x8180, s0  }
0x37d: {  	[hbm4b:s23+s3] =	stream.linear.scatter [tilespmem:s25], [sflag:$0x3], $0x80, $0x38;
	[tilespmem:$0x10100] =	vst v63  }
0x37e: {  	p0 =	sne.s32 s24, $0xE000;
	s24 =	sadd.s32 $0x8280, s0;
	s25 =	sadd.s32 $0x10, s23  }
0x37f: {  	[hbm4b:s25+s3] =	stream.linear.scatter [tilespmem:s24], [sflag:$0x3], $0x80, $0x38;
	[tilespmem:$0x10100] =	vst v63  }
0x380: {  	s24 =	sadd.s32 $0x8380, s0;
	s25 =	sadd.s32 $0x20, s23  }
0x381: {  	[hbm4b:s25+s3] =	stream.linear.scatter [tilespmem:s24], [sflag:$0x3], $0x80, $0x38;
	[tilespmem:$0x10100] =	vst v63  }
0x382: {  	s24 =	sadd.s32 $0x8480, s0;
	s25 =	sadd.s32 $0x30, s23  }
0x383: {  	[hbm4b:s25+s3] =	stream.linear.scatter [tilespmem:s24], [sflag:$0x3], $0x80, $0x38;
	[tilespmem:$0x10100] =	vst v63  }
0x384: {  	s24 =	sadd.s32 $0x8580, s0;
	s25 =	sadd.s32 $0x40, s23  }
0x385: {  	[hbm4b:s25+s3] =	stream.linear.scatter [tilespmem:s24], [sflag:$0x3], $0x80, $0x38;
	[tilespmem:$0x10100] =	vst v63  }
.Ltmp19:
0x386: {  	s24 =	sadd.s32 $0x8680, s0;
	s25 =	sadd.s32 $0x50, s23;
	(pc) =	sbr.rel @p0 .LBB2_35-.Ltmp19, $4  }
0x387: {  	[hbm4b:s25+s3] =	stream.linear.scatter [tilespmem:s24], [sflag:$0x3], $0x80, $0x38;
	[tilespmem:$0x10100] =	vst v63  }
0x388: {  	s26 =	sadd.s32 $0x70, s23;
	s24 =	sadd.s32 $0x8780, s0;
	s25 =	sadd.s32 $0x60, s23  }
0x389: {  	[hbm4b:s25+s3] =	stream.linear.scatter [tilespmem:s24], [sflag:$0x3], $0x80, $0x38;
	[tilespmem:$0x10100] =	vst v63  }
0x38a: {  	s23 =	sadd.s32 $0x1000, s23;
	s25 =	sadd.s32 $0x8880, s0;
	s24 =	smov.u32 s2  }
0x38b: {  	[hbm4b:s26+s3] =	stream.linear.scatter [tilespmem:s25], [sflag:$0x3], $0x80, $0x38;
	[tilespmem:$0x10100] =	vst v63  }
0x38c: {  	s0 =	sadd.s32 $0x8180, s22  }
0x38d: {  	[hbm4b:s23+s3] =	stream.linear.scatter [tilespmem:s0], [sflag:$0x3], $0x80, $0x38;
	[tilespmem:$0x10100] =	vst v63  }
0x38e: {  	s26 =	sadd.s32 $0x8280, s22;
	s2 =	sadd.s32 $0x10, s23  }
0x38f: {  	[hbm4b:s2+s3] =	stream.linear.scatter [tilespmem:s26], [sflag:$0x3], $0x80, $0x38;
	[tilespmem:$0x10100] =	vst v63  }
0x390: {  	s28 =	sadd.s32 $0x8380, s22;
	s29 =	sadd.s32 $0x20, s23  }
0x391: {  	[hbm4b:s29+s3] =	stream.linear.scatter [tilespmem:s28], [sflag:$0x3], $0x80, $0x38;
	[tilespmem:$0x10100] =	vst v63  }
0x392: {  	s30 =	sadd.s32 $0x8480, s22;
	s31 =	sadd.s32 $0x30, s23  }
0x393: {  	[hbm4b:s31+s3] =	stream.linear.scatter [tilespmem:s30], [sflag:$0x3], $0x80, $0x38;
	[tilespmem:$0x10100] =	vst v63  }
0x394: {  	s24 =	sadd.s32 $0x40, s23;
	s2 =	sadd.s32 $0x8580, s22  }
0x395: {  	[hbm4b:s24+s3] =	stream.linear.scatter [tilespmem:s2], [sflag:$0x3], $0x80, $0x38;
	[tilespmem:$0x10100] =	vst v63  }
0x396: {  	s25 =	sadd.s32 $0x8680, s22;
	s26 =	sadd.s32 $0x50, s23  }
0x397: {  	[hbm4b:s26+s3] =	stream.linear.scatter [tilespmem:s25], [sflag:$0x3], $0x80, $0x38;
	[tilespmem:$0x10100] =	vst v63  }
0x398: {  	s28 =	sadd.s32 $0x8780, s22;
	s29 =	sadd.s32 $0x60, s23  }
0x399: {  	[hbm4b:s29+s3] =	stream.linear.scatter [tilespmem:s28], [sflag:$0x3], $0x80, $0x38;
	[tilespmem:$0x10100] =	vst v63  }
0x39a: {  	s21 =	sadd.s32 $0x1, s21;
	s30 =	sadd.s32 $0x8880, s22;
	s31 =	sadd.s32 $0x70, s23  }
0x39b: {  	[hbm4b:s31+s3] =	stream.linear.scatter [tilespmem:s30], [sflag:$0x3], $0x80, $0x38;
	[tilespmem:$0x10100] =	vst v63  }
0x39c: {  	p0 =	sne.s32 s21, s9;
	_ =	swait.ge [sflag:s17], $0x4000  }
.Ltmp20:
0x39d: {  	[sflag:s17] =	ssyncset.done $0x0;
	(pc) =	sbr.rel @p0 .LBB2_1-.Ltmp20, $4  }
0x39e: {  	[sflag:s17] =	ssyncadd.s32 $0xFFFFC000  }
0x39f: {  	_ =	swait.ge [sflag:s20], $0x4000  }
0x3a0: {  	[sflag:s20] =	ssyncset.done $0x0  }
0x3a1: {  	[sflag:s20] =	ssyncadd.s32 $0xFFFFC000  }
0x3a2: {  	_ =	sfence.sel $0x180000  }
0x3a3: {  	[bflag:$0x0] =	sbarrier.arrive $0xFFFF  }
0x3a4: {  	_ =	strace $0x90000047  }
0x3a5: {  	s0 =	stileid.u32;
	[bflag:$0x2] =	sbarrier.arrive $0xFFFF  }
0x3a6: {  	p0 =	sne.s32 s0, $0x0;
	s0 =	rddreg [dreg:$0x3]  }
0x3a7: {  	s0 =	sadd.s32 @!p0 $0x100000, s0  }
0x3a8: {  	[sflag:s0] =	ssyncadd.tile.s32 @!p0 $0x1;
	_ =	shalt  }
.Lfunc_end2:
_tile_overlayer_lowered:
.L_overlay_start_2:
0x3a9: {  	(tag) =	ssettag $0x2  }
0x3aa: {  	s0 =	rddreg [dreg:$0x0];
	s2 =	stileid.u32  }
0x3ab: {  	s1 =	rddreg [dreg:$0x1];
	p0 =	sne.s32 s2, $0x0  }
0x3ac: {  	s3 =	rddreg [dreg:$0x2];
	[bflag:$0x3] =	sbarrier.arrive $0xFFFF;
	s2 =	simm.s32 @!p0 $0x1C05  }
0x3ad: {  	[timem:s3], [sflag:s2] =	dma.local @!p0 [hbm:s0], s1  }
0x3ae: {  	s0 =	simm.s32 @!p0 $0x5  }
0x3af: {  	_ =	swait.ge @!p0 [sflag:s0], s1  }
0x3b0: {  	s1 =	ssub.s32 @!p0 $0x0, s1;
	[sflag:s0] =	ssyncset.done @!p0 $0x0  }
0x3b1: {  	[sflag:s0] =	ssyncadd.s32 @!p0 s1  }
0x3b2: {  	[bflag:$0x3] =	sbarrier.arrive $0xFFFF  }
0x3b3: {  	_ =	shalt  }

</sc_bundles>
